<compile_context>
chip_gen: v7x
topology: tpu7x:2x2x1
jax: 0.10.2.dev20260603
libtpu: 0.0.44.dev20260713+nightly
codegen_flags: <defaults>
</compile_context>

<pallas_src>
import jax
import jax.numpy as jnp
from jax import lax
from jax.experimental import pallas as pl
from jax.experimental.pallas import tpu as pltpu
from jax.experimental.pallas import tpu_sc as plsc

_N = 10000
_E = 320000
_H = 128
_B = 64

_NC = 2
_NS = 16
_CHUNK = 128
_SUP = 1
_SCH = _CHUNK * _SUP
_EROWS = _E // _SCH
_NWORK = _NC * _NS
_ITERS = -(-_EROWS // _NWORK)
_NPAD = 10240
_TROWS = _NPAD // _NS
_CROWS = _NPAD // _H


def _sc_scatter_body(col_hbm, ea_hbm, outs_hbm, outc_hbm,
                     sums_sh, hist_sh, ebuf, ibuf, hist_v, zbuf, irows,
                     sem_e0, sem_e1, sem_i0, sem_i1, sem_s):
    c = lax.axis_index("c")
    s = lax.axis_index("s")
    wid = s * _NC + c
    sem_e = (sem_e0, sem_e1)
    sem_i = (sem_i0, sem_i1)

    for i in range(16):
        for j in range(8):
            zbuf[i, pl.ds(j * 16, 16)] = jnp.zeros((16,), jnp.float32)
    for k in range(_CROWS // 16):
        irows[pl.ds(k * 16, 16)] = lax.iota(jnp.int32, 16) + 16 * k

    def zero_hist(i, carry):
        for j in range(8):
            hist_v[i, pl.ds(j * 16, 16)] = jnp.zeros((16,), jnp.float32)
        return carry

    lax.fori_loop(0, _CROWS, zero_hist, 0)

    @pl.when(s < _CROWS // 16)
    def _():
        pltpu.sync_copy(zbuf, hist_sh.at[pl.ds(s * 16, 16)])

    base = s * _TROWS

    def zero_step(k, carry):
        pltpu.sync_copy(zbuf, sums_sh.at[pl.ds(base + k * 16, 16)])
        return carry

    lax.fori_loop(0, _TROWS // 16, zero_step, 0)
    plsc.subcore_barrier()

    nv = (_EROWS - wid + _NWORK - 1) // _NWORK

    def issue(j, b):
        row = (wid + _NWORK * j) * _SCH
        pltpu.async_copy(ea_hbm.at[pl.ds(row, _SCH)], ebuf.at[b], sem_e[b])
        pltpu.async_copy(col_hbm.at[pl.ds(row, _SCH)], ibuf.at[b], sem_i[b])

    def drain_scatter():
        for _ in range(_SUP):
            pltpu.make_async_copy(ebuf.at[0, pl.ds(0, _CHUNK)],
                                  sums_sh.at[ibuf.at[0, pl.ds(0, _CHUNK)]],
                                  sem_s).wait()

    for b in range(2):
        issue(b, b)

    def ring_step(g, carry):
        for b in range(2):
            j = 2 * g + b

            @pl.when(j < nv)
            def _():
                row = (wid + _NWORK * j) * _SCH
                pltpu.make_async_copy(ea_hbm.at[pl.ds(row, _SCH)],
                                      ebuf.at[b], sem_e[b]).wait()
                pltpu.make_async_copy(col_hbm.at[pl.ds(row, _SCH)],
                                      ibuf.at[b], sem_i[b]).wait()
                for t in range(_SUP):
                    pltpu.async_copy(
                        ebuf.at[b, pl.ds(t * _CHUNK, _CHUNK)],
                        sums_sh.at[ibuf.at[b, pl.ds(t * _CHUNK, _CHUNK)]],
                        sem_s, add=True)
                for k in range(_SCH // 16):
                    idxv = ibuf[b, pl.ds(k * 16, 16)]
                    plsc.addupdate_scatter(
                        hist_v,
                        [lax.shift_right_logical(idxv, 7),
                         jnp.bitwise_and(idxv, 127)],
                        jnp.ones((16,), jnp.float32))

                drain_scatter()

                @pl.when(j + 2 < nv)
                def _():
                    issue(j + 2, b)

        return carry

    lax.fori_loop(0, (_ITERS + 1) // 2, ring_step, 0)

    pltpu.sync_copy(hist_v, hist_sh.at[irows], add=True)
    plsc.subcore_barrier()

    pltpu.sync_copy(sums_sh.at[pl.ds(s * _TROWS, _TROWS)],
                    outs_hbm.at[c, pl.ds(s * _TROWS, _TROWS)])

    @pl.when(s < _CROWS // 16)
    def _():
        pltpu.sync_copy(hist_sh.at[pl.ds(s * 16, 16)],
                        outc_hbm.at[c, pl.ds(s * 16, 16)])


_sc_scatter = pl.kernel(
    _sc_scatter_body,
    out_type=[
        jax.ShapeDtypeStruct((_NC, _NPAD, _H), jnp.float32),
        jax.ShapeDtypeStruct((_NC, _CROWS, _H), jnp.float32),
    ],
    mesh=plsc.VectorSubcoreMesh(core_axis_name="c", subcore_axis_name="s",
                                num_cores=_NC, num_subcores=_NS),
    scratch_types=[
        pltpu.VMEM_SHARED((_NPAD, _H), jnp.float32),
        pltpu.VMEM_SHARED((_CROWS, _H), jnp.float32),
        pltpu.VMEM((2, _SCH, _H), jnp.float32),
        pltpu.VMEM((2, _SCH), jnp.int32),
        pltpu.VMEM((_CROWS, _H), jnp.float32),
        pltpu.VMEM((16, _H), jnp.float32),
        pltpu.VMEM((_CROWS,), jnp.int32),
        pltpu.SemaphoreType.DMA,
        pltpu.SemaphoreType.DMA,
        pltpu.SemaphoreType.DMA,
        pltpu.SemaphoreType.DMA,
        pltpu.SemaphoreType.DMA,
    ],
    compiler_params=pltpu.CompilerParams(needs_layout_passes=False),
)


_RB = 512
_NBLK = -(-_N // _RB)
_CB = _RB // _H


def _tc_pre_body(x_r, u_r, br_r, W1_r, b1_r, o_r):
    uc = jnp.dot(u_r[...], W1_r[2 * _H:3 * _H], preferred_element_type=jnp.float32)
    bidx = br_r[0, 0]
    onehot = (bidx[:, None] == lax.broadcasted_iota(jnp.int32, (1, _B), 1)
              ).astype(jnp.float32)
    o_r[...] = (jnp.dot(x_r[...], W1_r[0:_H], preferred_element_type=jnp.float32)
                + jnp.dot(onehot, uc, preferred_element_type=jnp.float32)
                + b1_r[...])


_tc_pre = pl.pallas_call(
    _tc_pre_body,
    grid=(_NBLK,),
    in_specs=[
        pl.BlockSpec((_RB, _H), lambda i: (i, 0)),
        pl.BlockSpec((_B, _H), lambda i: (0, 0)),
        pl.BlockSpec((1, 1, _RB), lambda i: (i, 0, 0)),
        pl.BlockSpec((3 * _H, _H), lambda i: (0, 0)),
        pl.BlockSpec((1, _H), lambda i: (0, 0)),
    ],
    out_specs=pl.BlockSpec((_RB, _H), lambda i: (i, 0)),
    out_shape=jax.ShapeDtypeStruct((_N, _H), jnp.float32),
)


def _tc_mlp_body(pre_r, s_r, c_r, W1_r, W2_r, b2_r, o_r):
    sums = s_r[0] + s_r[1]
    hist = c_r[0] + c_r[1]
    jglob = (lax.broadcasted_iota(jnp.int32, (_RB, 1), 0)
             + pl.program_id(0) * _RB)
    rowsel = (jglob // _H == lax.broadcasted_iota(jnp.int32, (1, _CROWS), 1)
              ).astype(jnp.float32)
    lanesel = (jglob % _H == lax.broadcasted_iota(jnp.int32, (1, _H), 1)
               ).astype(jnp.float32)
    cnt_full = jnp.dot(rowsel, hist, preferred_element_type=jnp.float32)
    cnt = jnp.sum(cnt_full * lanesel, axis=1, keepdims=True)
    agg = sums / jnp.maximum(cnt, 1.0)
    h = (pre_r[...]
         + jnp.dot(agg, W1_r[_H:2 * _H], preferred_element_type=jnp.float32))
    h = jnp.maximum(h, 0.0)
    o_r[...] = jnp.dot(h, W2_r[...], preferred_element_type=jnp.float32) + b2_r[...]


_tc_mlp = pl.pallas_call(
    _tc_mlp_body,
    grid=(_NBLK,),
    in_specs=[
        pl.BlockSpec((_RB, _H), lambda i: (i, 0)),
        pl.BlockSpec((_NC, _RB, _H), lambda i: (0, i, 0)),
        pl.BlockSpec((_NC, _CROWS, _H), lambda i: (0, 0, 0)),
        pl.BlockSpec((3 * _H, _H), lambda i: (0, 0)),
        pl.BlockSpec((_H, _H), lambda i: (0, 0)),
        pl.BlockSpec((1, _H), lambda i: (0, 0)),
    ],
    out_specs=pl.BlockSpec((_RB, _H), lambda i: (i, 0)),
    out_shape=jax.ShapeDtypeStruct((_N, _H), jnp.float32),
)


@jax.jit
def kernel(x, edge_index, edge_attr, u, batch, W1, b1, W2, b2):
    sums, counts = _sc_scatter(edge_index[1], edge_attr)
    batchr = jnp.pad(batch, (0, _NBLK * _RB - _N)).reshape(_NBLK, 1, _RB)
    pre = _tc_pre(x, u, batchr, W1, b1.reshape(1, _H))
    return _tc_mlp(pre, sums, counts, W1, W2, b2.reshape(1, _H))

# --- scband reference (transcript-rebuilt; emitter-appended) ---
"""Pipeline reference for scband-node-model-83760452207462 (READ-ONLY COPY).

The authoritative reference and input builder live on the scoring server;
editing this copy changes nothing except your own understanding.
"""

import jax, jax.numpy as jnp
import numpy as np

N, E, H, B = 10000, 320000, 128, 64

def setup_inputs(seed: int = 0) -> dict:
    key = jax.random.key(seed)
    ks = jax.random.split(key, 9)
    x = jax.random.normal(ks[0], (N, H), dtype=jnp.float32)
    edge_index = jax.random.randint(ks[1], (2, E), 0, N, dtype=jnp.int32)
    edge_attr = jax.random.normal(ks[2], (E, H), dtype=jnp.float32)
    u = jax.random.normal(ks[3], (B, H), dtype=jnp.float32)
    batch = jnp.sort(jax.random.randint(ks[4], (N,), 0, B, dtype=jnp.int32))
    # MLP params: Linear(3H -> H), ReLU, Linear(H -> H); stored as [in, out]
    W1 = jax.random.normal(ks[5], (3 * H, H), dtype=jnp.float32) * 0.05
    b1 = jnp.zeros((H,), dtype=jnp.float32)
    W2 = jax.random.normal(ks[6], (H, H), dtype=jnp.float32) * 0.05
    b2 = jnp.zeros((H,), dtype=jnp.float32)
    return {"x": x, "edge_index": edge_index, "edge_attr": edge_attr, "u": u, "batch": batch,
            "W1": W1, "b1": b1, "W2": W2, "b2": b2}

def reference(x, edge_index, edge_attr, u, batch, W1, b1, W2, b2):
    row, col = edge_index[0], edge_index[1]
    n = x.shape[0]
    sums = jax.ops.segment_sum(edge_attr, col, num_segments=n)
    counts = jax.ops.segment_sum(jnp.ones((edge_attr.shape[0],), dtype=x.dtype), col, num_segments=n)
    agg = sums / jnp.clip(counts, 1.0)[:, None]  # scatter_mean semantics (empty segments -> 0)
    out = jnp.concatenate([x, agg, u[batch]], axis=-1)
    h = jax.nn.relu(out @ W1 + b1)
    return h @ W2 + b2

if __name__ == "__main__":
    import jax
    _d = setup_inputs()
    print(jax.jit(kernel)(*tuple(_d.values())))

</pallas_src>

<mosaic_0001>
#map = affine_map<(d0, d1) -> (0)>
#map1 = affine_map<(d0, d1) -> (0, 0)>
#map2 = affine_map<(d0, d1) -> (0, 0, 0)>
module attributes {stable_mosaic.version = 14 : i64} {
  func.func @_sc_scatter_body(%arg0: i32, %arg1: i32, %arg2: memref<320000xi32, #tpu.memory_space<hbm>>, %arg3: memref<320000x128xf32, #tpu.memory_space<hbm>>, %arg4: memref<2x10240x128xf32, #tpu.memory_space<hbm>>, %arg5: memref<2x80x128xf32, #tpu.memory_space<hbm>>, %arg6: memref<10240x128xf32, #tpu.memory_space<vmem_shared>>, %arg7: memref<80x128xf32, #tpu.memory_space<vmem_shared>>, %arg8: memref<2x128x128xf32, #tpu.memory_space<vmem>>, %arg9: memref<2x128xi32, #tpu.memory_space<vmem>>, %arg10: memref<80x128xf32, #tpu.memory_space<vmem>>, %arg11: memref<16x128xf32, #tpu.memory_space<vmem>>, %arg12: memref<80xi32, #tpu.memory_space<vmem>>, %arg13: memref<!tpu.dma_semaphore, #tpu.memory_space<semaphore_mem>>, %arg14: memref<!tpu.dma_semaphore, #tpu.memory_space<semaphore_mem>>, %arg15: memref<!tpu.dma_semaphore, #tpu.memory_space<semaphore_mem>>, %arg16: memref<!tpu.dma_semaphore, #tpu.memory_space<semaphore_mem>>, %arg17: memref<!tpu.dma_semaphore, #tpu.memory_space<semaphore_mem>>) attributes {dimension_semantics = [#tpu.dimension_semantics<core_parallel>, #tpu.dimension_semantics<subcore_parallel>], iteration_bounds = array<i64: 2, 16>, scalar_prefetch = 0 : i64, scratch_operands = 12 : i64, tpu.core_type = #tpu.core_type<sc_vector_subcore>, window_params = [{transform_indices = #map}, {transform_indices = #map1}, {transform_indices = #map2}, {transform_indices = #map2}]} {
    %mul3A = arith.constant 2 : i32
    %mul3A_0 = arith.muli %arg1, %mul3A : i32
    %add3A = arith.addi %mul3A_0, %arg0 : i32
    %broadcast_in_dim3A = arith.constant 0.000000e+00 : f32
    %broadcast_in_dim3A_1 = vector.broadcast %broadcast_in_dim3A : f32 to vector<16xf32>
    %swap3A = arith.constant 0 : i32
    %swap3A_2 = arith.index_cast %swap3A : i32 to index
    %swap3A_3 = arith.constant 0 : index
    %swap3A_4 = tpu.vector_load %arg11[%swap3A_2, %swap3A_3] {strides = array<i32>} : memref<16x128xf32, #tpu.memory_space<vmem>>, vector<16xf32>,
    tpu.vector_store %arg11[%swap3A_2, %swap3A_3], %broadcast_in_dim3A_1 {strides = array<i32>} : memref<16x128xf32, #tpu.memory_space<vmem>>, vector<16xf32>,
    %broadcast_in_dim3A_5 = arith.constant 0.000000e+00 : f32
    %broadcast_in_dim3A_6 = vector.broadcast %broadcast_in_dim3A_5 : f32 to vector<16xf32>
    %swap3A_7 = arith.constant 0 : i32
    %swap3A_8 = arith.index_cast %swap3A_7 : i32 to index
    %swap3A_9 = arith.constant 16 : index
    %swap3A_10 = tpu.vector_load %arg11[%swap3A_8, %swap3A_9] {strides = array<i32>} : memref<16x128xf32, #tpu.memory_space<vmem>>, vector<16xf32>,
    tpu.vector_store %arg11[%swap3A_8, %swap3A_9], %broadcast_in_dim3A_6 {strides = array<i32>} : memref<16x128xf32, #tpu.memory_space<vmem>>, vector<16xf32>,
    %broadcast_in_dim3A_11 = arith.constant 0.000000e+00 : f32
    %broadcast_in_dim3A_12 = vector.broadcast %broadcast_in_dim3A_11 : f32 to vector<16xf32>
    %swap3A_13 = arith.constant 0 : i32
    %swap3A_14 = arith.index_cast %swap3A_13 : i32 to index
    %swap3A_15 = arith.constant 32 : index
    %swap3A_16 = tpu.vector_load %arg11[%swap3A_14, %swap3A_15] {strides = array<i32>} : memref<16x128xf32, #tpu.memory_space<vmem>>, vector<16xf32>,
    tpu.vector_store %arg11[%swap3A_14, %swap3A_15], %broadcast_in_dim3A_12 {strides = array<i32>} : memref<16x128xf32, #tpu.memory_space<vmem>>, vector<16xf32>,
    %broadcast_in_dim3A_17 = arith.constant 0.000000e+00 : f32
    %broadcast_in_dim3A_18 = vector.broadcast %broadcast_in_dim3A_17 : f32 to vector<16xf32>
    %swap3A_19 = arith.constant 0 : i32
    %swap3A_20 = arith.index_cast %swap3A_19 : i32 to index
    %swap3A_21 = arith.constant 48 : index
    %swap3A_22 = tpu.vector_load %arg11[%swap3A_20, %swap3A_21] {strides = array<i32>} : memref<16x128xf32, #tpu.memory_space<vmem>>, vector<16xf32>,
    tpu.vector_store %arg11[%swap3A_20, %swap3A_21], %broadcast_in_dim3A_18 {strides = array<i32>} : memref<16x128xf32, #tpu.memory_space<vmem>>, vector<16xf32>,
    %broadcast_in_dim3A_23 = arith.constant 0.000000e+00 : f32
    %broadcast_in_dim3A_24 = vector.broadcast %broadcast_in_dim3A_23 : f32 to vector<16xf32>
    %swap3A_25 = arith.constant 0 : i32
    %swap3A_26 = arith.index_cast %swap3A_25 : i32 to index
    %swap3A_27 = arith.constant 64 : index
    %swap3A_28 = tpu.vector_load %arg11[%swap3A_26, %swap3A_27] {strides = array<i32>} : memref<16x128xf32, #tpu.memory_space<vmem>>, vector<16xf32>,
    tpu.vector_store %arg11[%swap3A_26, %swap3A_27], %broadcast_in_dim3A_24 {strides = array<i32>} : memref<16x128xf32, #tpu.memory_space<vmem>>, vector<16xf32>,
    %broadcast_in_dim3A_29 = arith.constant 0.000000e+00 : f32
    %broadcast_in_dim3A_30 = vector.broadcast %broadcast_in_dim3A_29 : f32 to vector<16xf32>
    %swap3A_31 = arith.constant 0 : i32
    %swap3A_32 = arith.index_cast %swap3A_31 : i32 to index
    %swap3A_33 = arith.constant 80 : index
    %swap3A_34 = tpu.vector_load %arg11[%swap3A_32, %swap3A_33] {strides = array<i32>} : memref<16x128xf32, #tpu.memory_space<vmem>>, vector<16xf32>,
    tpu.vector_store %arg11[%swap3A_32, %swap3A_33], %broadcast_in_dim3A_30 {strides = array<i32>} : memref<16x128xf32, #tpu.memory_space<vmem>>, vector<16xf32>,
    %broadcast_in_dim3A_35 = arith.constant 0.000000e+00 : f32
    %broadcast_in_dim3A_36 = vector.broadcast %broadcast_in_dim3A_35 : f32 to vector<16xf32>
    %swap3A_37 = arith.constant 0 : i32
    %swap3A_38 = arith.index_cast %swap3A_37 : i32 to index
    %swap3A_39 = arith.constant 96 : index
    %swap3A_40 = tpu.vector_load %arg11[%swap3A_38, %swap3A_39] {strides = array<i32>} : memref<16x128xf32, #tpu.memory_space<vmem>>, vector<16xf32>,
    tpu.vector_store %arg11[%swap3A_38, %swap3A_39], %broadcast_in_dim3A_36 {strides = array<i32>} : memref<16x128xf32, #tpu.memory_space<vmem>>, vector<16xf32>,
    %broadcast_in_dim3A_41 = arith.constant 0.000000e+00 : f32
    %broadcast_in_dim3A_42 = vector.broadcast %broadcast_in_dim3A_41 : f32 to vector<16xf32>
    %swap3A_43 = arith.constant 0 : i32
    %swap3A_44 = arith.index_cast %swap3A_43 : i32 to index
    %swap3A_45 = arith.constant 112 : index
    %swap3A_46 = tpu.vector_load %arg11[%swap3A_44, %swap3A_45] {strides = array<i32>} : memref<16x128xf32, #tpu.memory_space<vmem>>, vector<16xf32>,
    tpu.vector_store %arg11[%swap3A_44, %swap3A_45], %broadcast_in_dim3A_42 {strides = array<i32>} : memref<16x128xf32, #tpu.memory_space<vmem>>, vector<16xf32>,
    %broadcast_in_dim3A_47 = arith.constant 0.000000e+00 : f32
    %broadcast_in_dim3A_48 = vector.broadcast %broadcast_in_dim3A_47 : f32 to vector<16xf32>
    %swap3A_49 = arith.constant 1 : i32
    %swap3A_50 = arith.index_cast %swap3A_49 : i32 to index
    %swap3A_51 = arith.constant 0 : index
    %swap3A_52 = tpu.vector_load %arg11[%swap3A_50, %swap3A_51] {strides = array<i32>} : memref<16x128xf32, #tpu.memory_space<vmem>>, vector<16xf32>,
    tpu.vector_store %arg11[%swap3A_50, %swap3A_51], %broadcast_in_dim3A_48 {strides = array<i32>} : memref<16x128xf32, #tpu.memory_space<vmem>>, vector<16xf32>,
    %broadcast_in_dim3A_53 = arith.constant 0.000000e+00 : f32
    %broadcast_in_dim3A_54 = vector.broadcast %broadcast_in_dim3A_53 : f32 to vector<16xf32>
    %swap3A_55 = arith.constant 1 : i32
    %swap3A_56 = arith.index_cast %swap3A_55 : i32 to index
    %swap3A_57 = arith.constant 16 : index
    %swap3A_58 = tpu.vector_load %arg11[%swap3A_56, %swap3A_57] {strides = array<i32>} : memref<16x128xf32, #tpu.memory_space<vmem>>, vector<16xf32>,
    tpu.vector_store %arg11[%swap3A_56, %swap3A_57], %broadcast_in_dim3A_54 {strides = array<i32>} : memref<16x128xf32, #tpu.memory_space<vmem>>, vector<16xf32>,
    %broadcast_in_dim3A_59 = arith.constant 0.000000e+00 : f32
    %broadcast_in_dim3A_60 = vector.broadcast %broadcast_in_dim3A_59 : f32 to vector<16xf32>
    %swap3A_61 = arith.constant 1 : i32
    %swap3A_62 = arith.index_cast %swap3A_61 : i32 to index
    %swap3A_63 = arith.constant 32 : index
    %swap3A_64 = tpu.vector_load %arg11[%swap3A_62, %swap3A_63] {strides = array<i32>} : memref<16x128xf32, #tpu.memory_space<vmem>>, vector<16xf32>,
    tpu.vector_store %arg11[%swap3A_62, %swap3A_63], %broadcast_in_dim3A_60 {strides = array<i32>} : memref<16x128xf32, #tpu.memory_space<vmem>>, vector<16xf32>,
    %broadcast_in_dim3A_65 = arith.constant 0.000000e+00 : f32
    %broadcast_in_dim3A_66 = vector.broadcast %broadcast_in_dim3A_65 : f32 to vector<16xf32>
    %swap3A_67 = arith.constant 1 : i32
    %swap3A_68 = arith.index_cast %swap3A_67 : i32 to index
    %swap3A_69 = arith.constant 48 : index
    %swap3A_70 = tpu.vector_load %arg11[%swap3A_68, %swap3A_69] {strides = array<i32>} : memref<16x128xf32, #tpu.memory_space<vmem>>, vector<16xf32>,
    tpu.vector_store %arg11[%swap3A_68, %swap3A_69], %broadcast_in_dim3A_66 {strides = array<i32>} : memref<16x128xf32, #tpu.memory_space<vmem>>, vector<16xf32>,
    %broadcast_in_dim3A_71 = arith.constant 0.000000e+00 : f32
    %broadcast_in_dim3A_72 = vector.broadcast %broadcast_in_dim3A_71 : f32 to vector<16xf32>
    %swap3A_73 = arith.constant 1 : i32
    %swap3A_74 = arith.index_cast %swap3A_73 : i32 to index
    %swap3A_75 = arith.constant 64 : index
    %swap3A_76 = tpu.vector_load %arg11[%swap3A_74, %swap3A_75] {strides = array<i32>} : memref<16x128xf32, #tpu.memory_space<vmem>>, vector<16xf32>,
    tpu.vector_store %arg11[%swap3A_74, %swap3A_75], %broadcast_in_dim3A_72 {strides = array<i32>} : memref<16x128xf32, #tpu.memory_space<vmem>>, vector<16xf32>,
    %broadcast_in_dim3A_77 = arith.constant 0.000000e+00 : f32
    %broadcast_in_dim3A_78 = vector.broadcast %broadcast_in_dim3A_77 : f32 to vector<16xf32>
    %swap3A_79 = arith.constant 1 : i32
    %swap3A_80 = arith.index_cast %swap3A_79 : i32 to index
    %swap3A_81 = arith.constant 80 : index
    %swap3A_82 = tpu.vector_load %arg11[%swap3A_80, %swap3A_81] {strides = array<i32>} : memref<16x128xf32, #tpu.memory_space<vmem>>, vector<16xf32>,
    tpu.vector_store %arg11[%swap3A_80, %swap3A_81], %broadcast_in_dim3A_78 {strides = array<i32>} : memref<16x128xf32, #tpu.memory_space<vmem>>, vector<16xf32>,
    %broadcast_in_dim3A_83 = arith.constant 0.000000e+00 : f32
    %broadcast_in_dim3A_84 = vector.broadcast %broadcast_in_dim3A_83 : f32 to vector<16xf32>
    %swap3A_85 = arith.constant 1 : i32
    %swap3A_86 = arith.index_cast %swap3A_85 : i32 to index
    %swap3A_87 = arith.constant 96 : index
    %swap3A_88 = tpu.vector_load %arg11[%swap3A_86, %swap3A_87] {strides = array<i32>} : memref<16x128xf32, #tpu.memory_space<vmem>>, vector<16xf32>,
    tpu.vector_store %arg11[%swap3A_86, %swap3A_87], %broadcast_in_dim3A_84 {strides = array<i32>} : memref<16x128xf32, #tpu.memory_space<vmem>>, vector<16xf32>,
    %broadcast_in_dim3A_89 = arith.constant 0.000000e+00 : f32
    %broadcast_in_dim3A_90 = vector.broadcast %broadcast_in_dim3A_89 : f32 to vector<16xf32>
    %swap3A_91 = arith.constant 1 : i32
    %swap3A_92 = arith.index_cast %swap3A_91 : i32 to index
    %swap3A_93 = arith.constant 112 : index
    %swap3A_94 = tpu.vector_load %arg11[%swap3A_92, %swap3A_93] {strides = array<i32>} : memref<16x128xf32, #tpu.memory_space<vmem>>, vector<16xf32>,
    tpu.vector_store %arg11[%swap3A_92, %swap3A_93], %broadcast_in_dim3A_90 {strides = array<i32>} : memref<16x128xf32, #tpu.memory_space<vmem>>, vector<16xf32>,
    %broadcast_in_dim3A_95 = arith.constant 0.000000e+00 : f32
    %broadcast_in_dim3A_96 = vector.broadcast %broadcast_in_dim3A_95 : f32 to vector<16xf32>
    %swap3A_97 = arith.constant 2 : i32
    %swap3A_98 = arith.index_cast %swap3A_97 : i32 to index
    %swap3A_99 = arith.constant 0 : index
    %swap3A_100 = tpu.vector_load %arg11[%swap3A_98, %swap3A_99] {strides = array<i32>} : memref<16x128xf32, #tpu.memory_space<vmem>>, vector<16xf32>,
    tpu.vector_store %arg11[%swap3A_98, %swap3A_99], %broadcast_in_dim3A_96 {strides = array<i32>} : memref<16x128xf32, #tpu.memory_space<vmem>>, vector<16xf32>,
    %broadcast_in_dim3A_101 = arith.constant 0.000000e+00 : f32
    %broadcast_in_dim3A_102 = vector.broadcast %broadcast_in_dim3A_101 : f32 to vector<16xf32>
    %swap3A_103 = arith.constant 2 : i32
    %swap3A_104 = arith.index_cast %swap3A_103 : i32 to index
    %swap3A_105 = arith.constant 16 : index
    %swap3A_106 = tpu.vector_load %arg11[%swap3A_104, %swap3A_105] {strides = array<i32>} : memref<16x128xf32, #tpu.memory_space<vmem>>, vector<16xf32>,
    tpu.vector_store %arg11[%swap3A_104, %swap3A_105], %broadcast_in_dim3A_102 {strides = array<i32>} : memref<16x128xf32, #tpu.memory_space<vmem>>, vector<16xf32>,
    %broadcast_in_dim3A_107 = arith.constant 0.000000e+00 : f32
    %broadcast_in_dim3A_108 = vector.broadcast %broadcast_in_dim3A_107 : f32 to vector<16xf32>
    %swap3A_109 = arith.constant 2 : i32
    %swap3A_110 = arith.index_cast %swap3A_109 : i32 to index
    %swap3A_111 = arith.constant 32 : index
    %swap3A_112 = tpu.vector_load %arg11[%swap3A_110, %swap3A_111] {strides = array<i32>} : memref<16x128xf32, #tpu.memory_space<vmem>>, vector<16xf32>,
    tpu.vector_store %arg11[%swap3A_110, %swap3A_111], %broadcast_in_dim3A_108 {strides = array<i32>} : memref<16x128xf32, #tpu.memory_space<vmem>>, vector<16xf32>,
    %broadcast_in_dim3A_113 = arith.constant 0.000000e+00 : f32
    %broadcast_in_dim3A_114 = vector.broadcast %broadcast_in_dim3A_113 : f32 to vector<16xf32>
    %swap3A_115 = arith.constant 2 : i32
    %swap3A_116 = arith.index_cast %swap3A_115 : i32 to index
    %swap3A_117 = arith.constant 48 : index
    %swap3A_118 = tpu.vector_load %arg11[%swap3A_116, %swap3A_117] {strides = array<i32>} : memref<16x128xf32, #tpu.memory_space<vmem>>, vector<16xf32>,
    tpu.vector_store %arg11[%swap3A_116, %swap3A_117], %broadcast_in_dim3A_114 {strides = array<i32>} : memref<16x128xf32, #tpu.memory_space<vmem>>, vector<16xf32>,
    %broadcast_in_dim3A_119 = arith.constant 0.000000e+00 : f32
    %broadcast_in_dim3A_120 = vector.broadcast %broadcast_in_dim3A_119 : f32 to vector<16xf32>
    %swap3A_121 = arith.constant 2 : i32
    %swap3A_122 = arith.index_cast %swap3A_121 : i32 to index
    %swap3A_123 = arith.constant 64 : index
    %swap3A_124 = tpu.vector_load %arg11[%swap3A_122, %swap3A_123] {strides = array<i32>} : memref<16x128xf32, #tpu.memory_space<vmem>>, vector<16xf32>,
    tpu.vector_store %arg11[%swap3A_122, %swap3A_123], %broadcast_in_dim3A_120 {strides = array<i32>} : memref<16x128xf32, #tpu.memory_space<vmem>>, vector<16xf32>,
    %broadcast_in_dim3A_125 = arith.constant 0.000000e+00 : f32
    %broadcast_in_dim3A_126 = vector.broadcast %broadcast_in_dim3A_125 : f32 to vector<16xf32>
    %swap3A_127 = arith.constant 2 : i32
    %swap3A_128 = arith.index_cast %swap3A_127 : i32 to index
    %swap3A_129 = arith.constant 80 : index
    %swap3A_130 = tpu.vector_load %arg11[%swap3A_128, %swap3A_129] {strides = array<i32>} : memref<16x128xf32, #tpu.memory_space<vmem>>, vector<16xf32>,
    tpu.vector_store %arg11[%swap3A_128, %swap3A_129], %broadcast_in_dim3A_126 {strides = array<i32>} : memref<16x128xf32, #tpu.memory_space<vmem>>, vector<16xf32>,
    %broadcast_in_dim3A_131 = arith.constant 0.000000e+00 : f32
    %broadcast_in_dim3A_132 = vector.broadcast %broadcast_in_dim3A_131 : f32 to vector<16xf32>
    %swap3A_133 = arith.constant 2 : i32
    %swap3A_134 = arith.index_cast %swap3A_133 : i32 to index
    %swap3A_135 = arith.constant 96 : index
    %swap3A_136 = tpu.vector_load %arg11[%swap3A_134, %swap3A_135] {strides = array<i32>} : memref<16x128xf32, #tpu.memory_space<vmem>>, vector<16xf32>,
    tpu.vector_store %arg11[%swap3A_134, %swap3A_135], %broadcast_in_dim3A_132 {strides = array<i32>} : memref<16x128xf32, #tpu.memory_space<vmem>>, vector<16xf32>,
    %broadcast_in_dim3A_137 = arith.constant 0.000000e+00 : f32
    %broadcast_in_dim3A_138 = vector.broadcast %broadcast_in_dim3A_137 : f32 to vector<16xf32>
    %swap3A_139 = arith.constant 2 : i32
    %swap3A_140 = arith.index_cast %swap3A_139 : i32 to index
    %swap3A_141 = arith.constant 112 : index
    %swap3A_142 = tpu.vector_load %arg11[%swap3A_140, %swap3A_141] {strides = array<i32>} : memref<16x128xf32, #tpu.memory_space<vmem>>, vector<16xf32>,
    tpu.vector_store %arg11[%swap3A_140, %swap3A_141], %broadcast_in_dim3A_138 {strides = array<i32>} : memref<16x128xf32, #tpu.memory_space<vmem>>, vector<16xf32>,
    %broadcast_in_dim3A_143 = arith.constant 0.000000e+00 : f32
    %broadcast_in_dim3A_144 = vector.broadcast %broadcast_in_dim3A_143 : f32 to vector<16xf32>
    %swap3A_145 = arith.constant 3 : i32
    %swap3A_146 = arith.index_cast %swap3A_145 : i32 to index
    %swap3A_147 = arith.constant 0 : index
    %swap3A_148 = tpu.vector_load %arg11[%swap3A_146, %swap3A_147] {strides = array<i32>} : memref<16x128xf32, #tpu.memory_space<vmem>>, vector<16xf32>,
    tpu.vector_store %arg11[%swap3A_146, %swap3A_147], %broadcast_in_dim3A_144 {strides = array<i32>} : memref<16x128xf32, #tpu.memory_space<vmem>>, vector<16xf32>,
    %broadcast_in_dim3A_149 = arith.constant 0.000000e+00 : f32
    %broadcast_in_dim3A_150 = vector.broadcast %broadcast_in_dim3A_149 : f32 to vector<16xf32>
    %swap3A_151 = arith.constant 3 : i32
    %swap3A_152 = arith.index_cast %swap3A_151 : i32 to index
    %swap3A_153 = arith.constant 16 : index
    %swap3A_154 = tpu.vector_load %arg11[%swap3A_152, %swap3A_153] {strides = array<i32>} : memref<16x128xf32, #tpu.memory_space<vmem>>, vector<16xf32>,
    tpu.vector_store %arg11[%swap3A_152, %swap3A_153], %broadcast_in_dim3A_150 {strides = array<i32>} : memref<16x128xf32, #tpu.memory_space<vmem>>, vector<16xf32>,
    %broadcast_in_dim3A_155 = arith.constant 0.000000e+00 : f32
    %broadcast_in_dim3A_156 = vector.broadcast %broadcast_in_dim3A_155 : f32 to vector<16xf32>
    %swap3A_157 = arith.constant 3 : i32
    %swap3A_158 = arith.index_cast %swap3A_157 : i32 to index
    %swap3A_159 = arith.constant 32 : index
    %swap3A_160 = tpu.vector_load %arg11[%swap3A_158, %swap3A_159] {strides = array<i32>} : memref<16x128xf32, #tpu.memory_space<vmem>>, vector<16xf32>,
    tpu.vector_store %arg11[%swap3A_158, %swap3A_159], %broadcast_in_dim3A_156 {strides = array<i32>} : memref<16x128xf32, #tpu.memory_space<vmem>>, vector<16xf32>,
    %broadcast_in_dim3A_161 = arith.constant 0.000000e+00 : f32
    %broadcast_in_dim3A_162 = vector.broadcast %broadcast_in_dim3A_161 : f32 to vector<16xf32>
    %swap3A_163 = arith.constant 3 : i32
    %swap3A_164 = arith.index_cast %swap3A_163 : i32 to index
    %swap3A_165 = arith.constant 48 : index
    %swap3A_166 = tpu.vector_load %arg11[%swap3A_164, %swap3A_165] {strides = array<i32>} : memref<16x128xf32, #tpu.memory_space<vmem>>, vector<16xf32>,
    tpu.vector_store %arg11[%swap3A_164, %swap3A_165], %broadcast_in_dim3A_162 {strides = array<i32>} : memref<16x128xf32, #tpu.memory_space<vmem>>, vector<16xf32>,
    %broadcast_in_dim3A_167 = arith.constant 0.000000e+00 : f32
    %broadcast_in_dim3A_168 = vector.broadcast %broadcast_in_dim3A_167 : f32 to vector<16xf32>
    %swap3A_169 = arith.constant 3 : i32
    %swap3A_170 = arith.index_cast %swap3A_169 : i32 to index
    %swap3A_171 = arith.constant 64 : index
    %swap3A_172 = tpu.vector_load %arg11[%swap3A_170, %swap3A_171] {strides = array<i32>} : memref<16x128xf32, #tpu.memory_space<vmem>>, vector<16xf32>,
    tpu.vector_store %arg11[%swap3A_170, %swap3A_171], %broadcast_in_dim3A_168 {strides = array<i32>} : memref<16x128xf32, #tpu.memory_space<vmem>>, vector<16xf32>,
    %broadcast_in_dim3A_173 = arith.constant 0.000000e+00 : f32
    %broadcast_in_dim3A_174 = vector.broadcast %broadcast_in_dim3A_173 : f32 to vector<16xf32>
    %swap3A_175 = arith.constant 3 : i32
    %swap3A_176 = arith.index_cast %swap3A_175 : i32 to index
    %swap3A_177 = arith.constant 80 : index
    %swap3A_178 = tpu.vector_load %arg11[%swap3A_176, %swap3A_177] {strides = array<i32>} : memref<16x128xf32, #tpu.memory_space<vmem>>, vector<16xf32>,
    tpu.vector_store %arg11[%swap3A_176, %swap3A_177], %broadcast_in_dim3A_174 {strides = array<i32>} : memref<16x128xf32, #tpu.memory_space<vmem>>, vector<16xf32>,
    %broadcast_in_dim3A_179 = arith.constant 0.000000e+00 : f32
    %broadcast_in_dim3A_180 = vector.broadcast %broadcast_in_dim3A_179 : f32 to vector<16xf32>
    %swap3A_181 = arith.constant 3 : i32
    %swap3A_182 = arith.index_cast %swap3A_181 : i32 to index
    %swap3A_183 = arith.constant 96 : index
    %swap3A_184 = tpu.vector_load %arg11[%swap3A_182, %swap3A_183] {strides = array<i32>} : memref<16x128xf32, #tpu.memory_space<vmem>>, vector<16xf32>,
    tpu.vector_store %arg11[%swap3A_182, %swap3A_183], %broadcast_in_dim3A_180 {strides = array<i32>} : memref<16x128xf32, #tpu.memory_space<vmem>>, vector<16xf32>,
    %broadcast_in_dim3A_185 = arith.constant 0.000000e+00 : f32
    %broadcast_in_dim3A_186 = vector.broadcast %broadcast_in_dim3A_185 : f32 to vector<16xf32>
    %swap3A_187 = arith.constant 3 : i32
    %swap3A_188 = arith.index_cast %swap3A_187 : i32 to index
    %swap3A_189 = arith.constant 112 : index
    %swap3A_190 = tpu.vector_load %arg11[%swap3A_188, %swap3A_189] {strides = array<i32>} : memref<16x128xf32, #tpu.memory_space<vmem>>, vector<16xf32>,
    tpu.vector_store %arg11[%swap3A_188, %swap3A_189], %broadcast_in_dim3A_186 {strides = array<i32>} : memref<16x128xf32, #tpu.memory_space<vmem>>, vector<16xf32>,
    %broadcast_in_dim3A_191 = arith.constant 0.000000e+00 : f32
    %broadcast_in_dim3A_192 = vector.broadcast %broadcast_in_dim3A_191 : f32 to vector<16xf32>
    %swap3A_193 = arith.constant 4 : i32
    %swap3A_194 = arith.index_cast %swap3A_193 : i32 to index
    %swap3A_195 = arith.constant 0 : index
    %swap3A_196 = tpu.vector_load %arg11[%swap3A_194, %swap3A_195] {strides = array<i32>} : memref<16x128xf32, #tpu.memory_space<vmem>>, vector<16xf32>,
    tpu.vector_store %arg11[%swap3A_194, %swap3A_195], %broadcast_in_dim3A_192 {strides = array<i32>} : memref<16x128xf32, #tpu.memory_space<vmem>>, vector<16xf32>,
    %broadcast_in_dim3A_197 = arith.constant 0.000000e+00 : f32
    %broadcast_in_dim3A_198 = vector.broadcast %broadcast_in_dim3A_197 : f32 to vector<16xf32>
    %swap3A_199 = arith.constant 4 : i32
    %swap3A_200 = arith.index_cast %swap3A_199 : i32 to index
    %swap3A_201 = arith.constant 16 : index
    %swap3A_202 = tpu.vector_load %arg11[%swap3A_200, %swap3A_201] {strides = array<i32>} : memref<16x128xf32, #tpu.memory_space<vmem>>, vector<16xf32>,
    tpu.vector_store %arg11[%swap3A_200, %swap3A_201], %broadcast_in_dim3A_198 {strides = array<i32>} : memref<16x128xf32, #tpu.memory_space<vmem>>, vector<16xf32>,
    %broadcast_in_dim3A_203 = arith.constant 0.000000e+00 : f32
    %broadcast_in_dim3A_204 = vector.broadcast %broadcast_in_dim3A_203 : f32 to vector<16xf32>
    %swap3A_205 = arith.constant 4 : i32
    %swap3A_206 = arith.index_cast %swap3A_205 : i32 to index
    %swap3A_207 = arith.constant 32 : index
    %swap3A_208 = tpu.vector_load %arg11[%swap3A_206, %swap3A_207] {strides = array<i32>} : memref<16x128xf32, #tpu.memory_space<vmem>>, vector<16xf32>,
    tpu.vector_store %arg11[%swap3A_206, %swap3A_207], %broadcast_in_dim3A_204 {strides = array<i32>} : memref<16x128xf32, #tpu.memory_space<vmem>>, vector<16xf32>,
    %broadcast_in_dim3A_209 = arith.constant 0.000000e+00 : f32
    %broadcast_in_dim3A_210 = vector.broadcast %broadcast_in_dim3A_209 : f32 to vector<16xf32>
    %swap3A_211 = arith.constant 4 : i32
    %swap3A_212 = arith.index_cast %swap3A_211 : i32 to index
    %swap3A_213 = arith.constant 48 : index
    %swap3A_214 = tpu.vector_load %arg11[%swap3A_212, %swap3A_213] {strides = array<i32>} : memref<16x128xf32, #tpu.memory_space<vmem>>, vector<16xf32>,
    tpu.vector_store %arg11[%swap3A_212, %swap3A_213], %broadcast_in_dim3A_210 {strides = array<i32>} : memref<16x128xf32, #tpu.memory_space<vmem>>, vector<16xf32>,
    %broadcast_in_dim3A_215 = arith.constant 0.000000e+00 : f32
    %broadcast_in_dim3A_216 = vector.broadcast %broadcast_in_dim3A_215 : f32 to vector<16xf32>
    %swap3A_217 = arith.constant 4 : i32
    %swap3A_218 = arith.index_cast %swap3A_217 : i32 to index
    %swap3A_219 = arith.constant 64 : index
    %swap3A_220 = tpu.vector_load %arg11[%swap3A_218, %swap3A_219] {strides = array<i32>} : memref<16x128xf32, #tpu.memory_space<vmem>>, vector<16xf32>,
    tpu.vector_store %arg11[%swap3A_218, %swap3A_219], %broadcast_in_dim3A_216 {strides = array<i32>} : memref<16x128xf32, #tpu.memory_space<vmem>>, vector<16xf32>,
    %broadcast_in_dim3A_221 = arith.constant 0.000000e+00 : f32
    %broadcast_in_dim3A_222 = vector.broadcast %broadcast_in_dim3A_221 : f32 to vector<16xf32>
    %swap3A_223 = arith.constant 4 : i32
    %swap3A_224 = arith.index_cast %swap3A_223 : i32 to index
    %swap3A_225 = arith.constant 80 : index
    %swap3A_226 = tpu.vector_load %arg11[%swap3A_224, %swap3A_225] {strides = array<i32>} : memref<16x128xf32, #tpu.memory_space<vmem>>, vector<16xf32>,
    tpu.vector_store %arg11[%swap3A_224, %swap3A_225], %broadcast_in_dim3A_222 {strides = array<i32>} : memref<16x128xf32, #tpu.memory_space<vmem>>, vector<16xf32>,
    %broadcast_in_dim3A_227 = arith.constant 0.000000e+00 : f32
    %broadcast_in_dim3A_228 = vector.broadcast %broadcast_in_dim3A_227 : f32 to vector<16xf32>
    %swap3A_229 = arith.constant 4 : i32
    %swap3A_230 = arith.index_cast %swap3A_229 : i32 to index
    %swap3A_231 = arith.constant 96 : index
    %swap3A_232 = tpu.vector_load %arg11[%swap3A_230, %swap3A_231] {strides = array<i32>} : memref<16x128xf32, #tpu.memory_space<vmem>>, vector<16xf32>,
    tpu.vector_store %arg11[%swap3A_230, %swap3A_231], %broadcast_in_dim3A_228 {strides = array<i32>} : memref<16x128xf32, #tpu.memory_space<vmem>>, vector<16xf32>,
    %broadcast_in_dim3A_233 = arith.constant 0.000000e+00 : f32
    %broadcast_in_dim3A_234 = vector.broadcast %broadcast_in_dim3A_233 : f32 to vector<16xf32>
    %swap3A_235 = arith.constant 4 : i32
    %swap3A_236 = arith.index_cast %swap3A_235 : i32 to index
    %swap3A_237 = arith.constant 112 : index
    %swap3A_238 = tpu.vector_load %arg11[%swap3A_236, %swap3A_237] {strides = array<i32>} : memref<16x128xf32, #tpu.memory_space<vmem>>, vector<16xf32>,
    tpu.vector_store %arg11[%swap3A_236, %swap3A_237], %broadcast_in_dim3A_234 {strides = array<i32>} : memref<16x128xf32, #tpu.memory_space<vmem>>, vector<16xf32>,
    %broadcast_in_dim3A_239 = arith.constant 0.000000e+00 : f32
    %broadcast_in_dim3A_240 = vector.broadcast %broadcast_in_dim3A_239 : f32 to vector<16xf32>
    %swap3A_241 = arith.constant 5 : i32
    %swap3A_242 = arith.index_cast %swap3A_241 : i32 to index
    %swap3A_243 = arith.constant 0 : index
    %swap3A_244 = tpu.vector_load %arg11[%swap3A_242, %swap3A_243] {strides = array<i32>} : memref<16x128xf32, #tpu.memory_space<vmem>>, vector<16xf32>,
    tpu.vector_store %arg11[%swap3A_242, %swap3A_243], %broadcast_in_dim3A_240 {strides = array<i32>} : memref<16x128xf32, #tpu.memory_space<vmem>>, vector<16xf32>,
    %broadcast_in_dim3A_245 = arith.constant 0.000000e+00 : f32
    %broadcast_in_dim3A_246 = vector.broadcast %broadcast_in_dim3A_245 : f32 to vector<16xf32>
    %swap3A_247 = arith.constant 5 : i32
    %swap3A_248 = arith.index_cast %swap3A_247 : i32 to index
    %swap3A_249 = arith.constant 16 : index
    %swap3A_250 = tpu.vector_load %arg11[%swap3A_248, %swap3A_249] {strides = array<i32>} : memref<16x128xf32, #tpu.memory_space<vmem>>, vector<16xf32>,
    tpu.vector_store %arg11[%swap3A_248, %swap3A_249], %broadcast_in_dim3A_246 {strides = array<i32>} : memref<16x128xf32, #tpu.memory_space<vmem>>, vector<16xf32>,
    %broadcast_in_dim3A_251 = arith.constant 0.000000e+00 : f32
    %broadcast_in_dim3A_252 = vector.broadcast %broadcast_in_dim3A_251 : f32 to vector<16xf32>
    %swap3A_253 = arith.constant 5 : i32
    %swap3A_254 = arith.index_cast %swap3A_253 : i32 to index
    %swap3A_255 = arith.constant 32 : index
    %swap3A_256 = tpu.vector_load %arg11[%swap3A_254, %swap3A_255] {strides = array<i32>} : memref<16x128xf32, #tpu.memory_space<vmem>>, vector<16xf32>,
    tpu.vector_store %arg11[%swap3A_254, %swap3A_255], %broadcast_in_dim3A_252 {strides = array<i32>} : memref<16x128xf32, #tpu.memory_space<vmem>>, vector<16xf32>,
    %broadcast_in_dim3A_257 = arith.constant 0.000000e+00 : f32
    %broadcast_in_dim3A_258 = vector.broadcast %broadcast_in_dim3A_257 : f32 to vector<16xf32>
    %swap3A_259 = arith.constant 5 : i32
    %swap3A_260 = arith.index_cast %swap3A_259 : i32 to index
    %swap3A_261 = arith.constant 48 : index
    %swap3A_262 = tpu.vector_load %arg11[%swap3A_260, %swap3A_261] {strides = array<i32>} : memref<16x128xf32, #tpu.memory_space<vmem>>, vector<16xf32>,
    tpu.vector_store %arg11[%swap3A_260, %swap3A_261], %broadcast_in_dim3A_258 {strides = array<i32>} : memref<16x128xf32, #tpu.memory_space<vmem>>, vector<16xf32>,
    %broadcast_in_dim3A_263 = arith.constant 0.000000e+00 : f32
    %broadcast_in_dim3A_264 = vector.broadcast %broadcast_in_dim3A_263 : f32 to vector<16xf32>
    %swap3A_265 = arith.constant 5 : i32
    %swap3A_266 = arith.index_cast %swap3A_265 : i32 to index
    %swap3A_267 = arith.constant 64 : index
    %swap3A_268 = tpu.vector_load %arg11[%swap3A_266, %swap3A_267] {strides = array<i32>} : memref<16x128xf32, #tpu.memory_space<vmem>>, vector<16xf32>,
    tpu.vector_store %arg11[%swap3A_266, %swap3A_267], %broadcast_in_dim3A_264 {strides = array<i32>} : memref<16x128xf32, #tpu.memory_space<vmem>>, vector<16xf32>,
    %broadcast_in_dim3A_269 = arith.constant 0.000000e+00 : f32
    %broadcast_in_dim3A_270 = vector.broadcast %broadcast_in_dim3A_269 : f32 to vector<16xf32>
    %swap3A_271 = arith.constant 5 : i32
    %swap3A_272 = arith.index_cast %swap3A_271 : i32 to index
    %swap3A_273 = arith.constant 80 : index
    %swap3A_274 = tpu.vector_load %arg11[%swap3A_272, %swap3A_273] {strides = array<i32>} : memref<16x128xf32, #tpu.memory_space<vmem>>, vector<16xf32>,
    tpu.vector_store %arg11[%swap3A_272, %swap3A_273], %broadcast_in_dim3A_270 {strides = array<i32>} : memref<16x128xf32, #tpu.memory_space<vmem>>, vector<16xf32>,
    %broadcast_in_dim3A_275 = arith.constant 0.000000e+00 : f32
    %broadcast_in_dim3A_276 = vector.broadcast %broadcast_in_dim3A_275 : f32 to vector<16xf32>
    %swap3A_277 = arith.constant 5 : i32
    %swap3A_278 = arith.index_cast %swap3A_277 : i32 to index
    %swap3A_279 = arith.constant 96 : index
    %swap3A_280 = tpu.vector_load %arg11[%swap3A_278, %swap3A_279] {strides = array<i32>} : memref<16x128xf32, #tpu.memory_space<vmem>>, vector<16xf32>,
    tpu.vector_store %arg11[%swap3A_278, %swap3A_279], %broadcast_in_dim3A_276 {strides = array<i32>} : memref<16x128xf32, #tpu.memory_space<vmem>>, vector<16xf32>,
    %broadcast_in_dim3A_281 = arith.constant 0.000000e+00 : f32
    %broadcast_in_dim3A_282 = vector.broadcast %broadcast_in_dim3A_281 : f32 to vector<16xf32>
    %swap3A_283 = arith.constant 5 : i32
    %swap3A_284 = arith.index_cast %swap3A_283 : i32 to index
    %swap3A_285 = arith.constant 112 : index
    %swap3A_286 = tpu.vector_load %arg11[%swap3A_284, %swap3A_285] {strides = array<i32>} : memref<16x128xf32, #tpu.memory_space<vmem>>, vector<16xf32>,
    tpu.vector_store %arg11[%swap3A_284, %swap3A_285], %broadcast_in_dim3A_282 {strides = array<i32>} : memref<16x128xf32, #tpu.memory_space<vmem>>, vector<16xf32>,
    %broadcast_in_dim3A_287 = arith.constant 0.000000e+00 : f32
    %broadcast_in_dim3A_288 = vector.broadcast %broadcast_in_dim3A_287 : f32 to vector<16xf32>
    %swap3A_289 = arith.constant 6 : i32
    %swap3A_290 = arith.index_cast %swap3A_289 : i32 to index
    %swap3A_291 = arith.constant 0 : index
    %swap3A_292 = tpu.vector_load %arg11[%swap3A_290, %swap3A_291] {strides = array<i32>} : memref<16x128xf32, #tpu.memory_space<vmem>>, vector<16xf32>,
    tpu.vector_store %arg11[%swap3A_290, %swap3A_291], %broadcast_in_dim3A_288 {strides = array<i32>} : memref<16x128xf32, #tpu.memory_space<vmem>>, vector<16xf32>,
    %broadcast_in_dim3A_293 = arith.constant 0.000000e+00 : f32
    %broadcast_in_dim3A_294 = vector.broadcast %broadcast_in_dim3A_293 : f32 to vector<16xf32>
    %swap3A_295 = arith.constant 6 : i32
    %swap3A_296 = arith.index_cast %swap3A_295 : i32 to index
    %swap3A_297 = arith.constant 16 : index
    %swap3A_298 = tpu.vector_load %arg11[%swap3A_296, %swap3A_297] {strides = array<i32>} : memref<16x128xf32, #tpu.memory_space<vmem>>, vector<16xf32>,
    tpu.vector_store %arg11[%swap3A_296, %swap3A_297], %broadcast_in_dim3A_294 {strides = array<i32>} : memref<16x128xf32, #tpu.memory_space<vmem>>, vector<16xf32>,
    %broadcast_in_dim3A_299 = arith.constant 0.000000e+00 : f32
    %broadcast_in_dim3A_300 = vector.broadcast %broadcast_in_dim3A_299 : f32 to vector<16xf32>
    %swap3A_301 = arith.constant 6 : i32
    %swap3A_302 = arith.index_cast %swap3A_301 : i32 to index
    %swap3A_303 = arith.constant 32 : index
    %swap3A_304 = tpu.vector_load %arg11[%swap3A_302, %swap3A_303] {strides = array<i32>} : memref<16x128xf32, #tpu.memory_space<vmem>>, vector<16xf32>,
    tpu.vector_store %arg11[%swap3A_302, %swap3A_303], %broadcast_in_dim3A_300 {strides = array<i32>} : memref<16x128xf32, #tpu.memory_space<vmem>>, vector<16xf32>,
    %broadcast_in_dim3A_305 = arith.constant 0.000000e+00 : f32
    %broadcast_in_dim3A_306 = vector.broadcast %broadcast_in_dim3A_305 : f32 to vector<16xf32>
    %swap3A_307 = arith.constant 6 : i32
    %swap3A_308 = arith.index_cast %swap3A_307 : i32 to index
    %swap3A_309 = arith.constant 48 : index
    %swap3A_310 = tpu.vector_load %arg11[%swap3A_308, %swap3A_309] {strides = array<i32>} : memref<16x128xf32, #tpu.memory_space<vmem>>, vector<16xf32>,
    tpu.vector_store %arg11[%swap3A_308, %swap3A_309], %broadcast_in_dim3A_306 {strides = array<i32>} : memref<16x128xf32, #tpu.memory_space<vmem>>, vector<16xf32>,
    %broadcast_in_dim3A_311 = arith.constant 0.000000e+00 : f32
    %broadcast_in_dim3A_312 = vector.broadcast %broadcast_in_dim3A_311 : f32 to vector<16xf32>
    %swap3A_313 = arith.constant 6 : i32
    %swap3A_314 = arith.index_cast %swap3A_313 : i32 to index
    %swap3A_315 = arith.constant 64 : index
    %swap3A_316 = tpu.vector_load %arg11[%swap3A_314, %swap3A_315] {strides = array<i32>} : memref<16x128xf32, #tpu.memory_space<vmem>>, vector<16xf32>,
    tpu.vector_store %arg11[%swap3A_314, %swap3A_315], %broadcast_in_dim3A_312 {strides = array<i32>} : memref<16x128xf32, #tpu.memory_space<vmem>>, vector<16xf32>,
    %broadcast_in_dim3A_317 = arith.constant 0.000000e+00 : f32
    %broadcast_in_dim3A_318 = vector.broadcast %broadcast_in_dim3A_317 : f32 to vector<16xf32>
    %swap3A_319 = arith.constant 6 : i32
    %swap3A_320 = arith.index_cast %swap3A_319 : i32 to index
    %swap3A_321 = arith.constant 80 : index
    %swap3A_322 = tpu.vector_load %arg11[%swap3A_320, %swap3A_321] {strides = array<i32>} : memref<16x128xf32, #tpu.memory_space<vmem>>, vector<16xf32>,
    tpu.vector_store %arg11[%swap3A_320, %swap3A_321], %broadcast_in_dim3A_318 {strides = array<i32>} : memref<16x128xf32, #tpu.memory_space<vmem>>, vector<16xf32>,
    %broadcast_in_dim3A_323 = arith.constant 0.000000e+00 : f32
    %broadcast_in_dim3A_324 = vector.broadcast %broadcast_in_dim3A_323 : f32 to vector<16xf32>
    %swap3A_325 = arith.constant 6 : i32
    %swap3A_326 = arith.index_cast %swap3A_325 : i32 to index
    %swap3A_327 = arith.constant 96 : index
    %swap3A_328 = tpu.vector_load %arg11[%swap3A_326, %swap3A_327] {strides = array<i32>} : memref<16x128xf32, #tpu.memory_space<vmem>>, vector<16xf32>,
    tpu.vector_store %arg11[%swap3A_326, %swap3A_327], %broadcast_in_dim3A_324 {strides = array<i32>} : memref<16x128xf32, #tpu.memory_space<vmem>>, vector<16xf32>,
    %broadcast_in_dim3A_329 = arith.constant 0.000000e+00 : f32
    %broadcast_in_dim3A_330 = vector.broadcast %broadcast_in_dim3A_329 : f32 to vector<16xf32>
    %swap3A_331 = arith.constant 6 : i32
    %swap3A_332 = arith.index_cast %swap3A_331 : i32 to index
    %swap3A_333 = arith.constant 112 : index
    %swap3A_334 = tpu.vector_load %arg11[%swap3A_332, %swap3A_333] {strides = array<i32>} : memref<16x128xf32, #tpu.memory_space<vmem>>, vector<16xf32>,
    tpu.vector_store %arg11[%swap3A_332, %swap3A_333], %broadcast_in_dim3A_330 {strides = array<i32>} : memref<16x128xf32, #tpu.memory_space<vmem>>, vector<16xf32>,
    %broadcast_in_dim3A_335 = arith.constant 0.000000e+00 : f32
    %broadcast_in_dim3A_336 = vector.broadcast %broadcast_in_dim3A_335 : f32 to vector<16xf32>
    %swap3A_337 = arith.constant 7 : i32
    %swap3A_338 = arith.index_cast %swap3A_337 : i32 to index
    %swap3A_339 = arith.constant 0 : index
    %swap3A_340 = tpu.vector_load %arg11[%swap3A_338, %swap3A_339] {strides = array<i32>} : memref<16x128xf32, #tpu.memory_space<vmem>>, vector<16xf32>,
    tpu.vector_store %arg11[%swap3A_338, %swap3A_339], %broadcast_in_dim3A_336 {strides = array<i32>} : memref<16x128xf32, #tpu.memory_space<vmem>>, vector<16xf32>,
    %broadcast_in_dim3A_341 = arith.constant 0.000000e+00 : f32
    %broadcast_in_dim3A_342 = vector.broadcast %broadcast_in_dim3A_341 : f32 to vector<16xf32>
    %swap3A_343 = arith.constant 7 : i32
    %swap3A_344 = arith.index_cast %swap3A_343 : i32 to index
    %swap3A_345 = arith.constant 16 : index
    %swap3A_346 = tpu.vector_load %arg11[%swap3A_344, %swap3A_345] {strides = array<i32>} : memref<16x128xf32, #tpu.memory_space<vmem>>, vector<16xf32>,
    tpu.vector_store %arg11[%swap3A_344, %swap3A_345], %broadcast_in_dim3A_342 {strides = array<i32>} : memref<16x128xf32, #tpu.memory_space<vmem>>, vector<16xf32>,
    %broadcast_in_dim3A_347 = arith.constant 0.000000e+00 : f32
    %broadcast_in_dim3A_348 = vector.broadcast %broadcast_in_dim3A_347 : f32 to vector<16xf32>
    %swap3A_349 = arith.constant 7 : i32
    %swap3A_350 = arith.index_cast %swap3A_349 : i32 to index
    %swap3A_351 = arith.constant 32 : index
    %swap3A_352 = tpu.vector_load %arg11[%swap3A_350, %swap3A_351] {strides = array<i32>} : memref<16x128xf32, #tpu.memory_space<vmem>>, vector<16xf32>,
    tpu.vector_store %arg11[%swap3A_350, %swap3A_351], %broadcast_in_dim3A_348 {strides = array<i32>} : memref<16x128xf32, #tpu.memory_space<vmem>>, vector<16xf32>,
    %broadcast_in_dim3A_353 = arith.constant 0.000000e+00 : f32
    %broadcast_in_dim3A_354 = vector.broadcast %broadcast_in_dim3A_353 : f32 to vector<16xf32>
    %swap3A_355 = arith.constant 7 : i32
    %swap3A_356 = arith.index_cast %swap3A_355 : i32 to index
    %swap3A_357 = arith.constant 48 : index
    %swap3A_358 = tpu.vector_load %arg11[%swap3A_356, %swap3A_357] {strides = array<i32>} : memref<16x128xf32, #tpu.memory_space<vmem>>, vector<16xf32>,
    tpu.vector_store %arg11[%swap3A_356, %swap3A_357], %broadcast_in_dim3A_354 {strides = array<i32>} : memref<16x128xf32, #tpu.memory_space<vmem>>, vector<16xf32>,
    %broadcast_in_dim3A_359 = arith.constant 0.000000e+00 : f32
    %broadcast_in_dim3A_360 = vector.broadcast %broadcast_in_dim3A_359 : f32 to vector<16xf32>
    %swap3A_361 = arith.constant 7 : i32
    %swap3A_362 = arith.index_cast %swap3A_361 : i32 to index
    %swap3A_363 = arith.constant 64 : index
    %swap3A_364 = tpu.vector_load %arg11[%swap3A_362, %swap3A_363] {strides = array<i32>} : memref<16x128xf32, #tpu.memory_space<vmem>>, vector<16xf32>,
    tpu.vector_store %arg11[%swap3A_362, %swap3A_363], %broadcast_in_dim3A_360 {strides = array<i32>} : memref<16x128xf32, #tpu.memory_space<vmem>>, vector<16xf32>,
    %broadcast_in_dim3A_365 = arith.constant 0.000000e+00 : f32
    %broadcast_in_dim3A_366 = vector.broadcast %broadcast_in_dim3A_365 : f32 to vector<16xf32>
    %swap3A_367 = arith.constant 7 : i32
    %swap3A_368 = arith.index_cast %swap3A_367 : i32 to index
    %swap3A_369 = arith.constant 80 : index
    %swap3A_370 = tpu.vector_load %arg11[%swap3A_368, %swap3A_369] {strides = array<i32>} : memref<16x128xf32, #tpu.memory_space<vmem>>, vector<16xf32>,
    tpu.vector_store %arg11[%swap3A_368, %swap3A_369], %broadcast_in_dim3A_366 {strides = array<i32>} : memref<16x128xf32, #tpu.memory_space<vmem>>, vector<16xf32>,
    %broadcast_in_dim3A_371 = arith.constant 0.000000e+00 : f32
    %broadcast_in_dim3A_372 = vector.broadcast %broadcast_in_dim3A_371 : f32 to vector<16xf32>
    %swap3A_373 = arith.constant 7 : i32
    %swap3A_374 = arith.index_cast %swap3A_373 : i32 to index
    %swap3A_375 = arith.constant 96 : index
    %swap3A_376 = tpu.vector_load %arg11[%swap3A_374, %swap3A_375] {strides = array<i32>} : memref<16x128xf32, #tpu.memory_space<vmem>>, vector<16xf32>,
    tpu.vector_store %arg11[%swap3A_374, %swap3A_375], %broadcast_in_dim3A_372 {strides = array<i32>} : memref<16x128xf32, #tpu.memory_space<vmem>>, vector<16xf32>,
    %broadcast_in_dim3A_377 = arith.constant 0.000000e+00 : f32
    %broadcast_in_dim3A_378 = vector.broadcast %broadcast_in_dim3A_377 : f32 to vector<16xf32>
    %swap3A_379 = arith.constant 7 : i32
    %swap3A_380 = arith.index_cast %swap3A_379 : i32 to index
    %swap3A_381 = arith.constant 112 : index
    %swap3A_382 = tpu.vector_load %arg11[%swap3A_380, %swap3A_381] {strides = array<i32>} : memref<16x128xf32, #tpu.memory_space<vmem>>, vector<16xf32>,
    tpu.vector_store %arg11[%swap3A_380, %swap3A_381], %broadcast_in_dim3A_378 {strides = array<i32>} : memref<16x128xf32, #tpu.memory_space<vmem>>, vector<16xf32>,
    %broadcast_in_dim3A_383 = arith.constant 0.000000e+00 : f32
    %broadcast_in_dim3A_384 = vector.broadcast %broadcast_in_dim3A_383 : f32 to vector<16xf32>
    %swap3A_385 = arith.constant 8 : i32
    %swap3A_386 = arith.index_cast %swap3A_385 : i32 to index
    %swap3A_387 = arith.constant 0 : index
    %swap3A_388 = tpu.vector_load %arg11[%swap3A_386, %swap3A_387] {strides = array<i32>} : memref<16x128xf32, #tpu.memory_space<vmem>>, vector<16xf32>,
    tpu.vector_store %arg11[%swap3A_386, %swap3A_387], %broadcast_in_dim3A_384 {strides = array<i32>} : memref<16x128xf32, #tpu.memory_space<vmem>>, vector<16xf32>,
    %broadcast_in_dim3A_389 = arith.constant 0.000000e+00 : f32
    %broadcast_in_dim3A_390 = vector.broadcast %broadcast_in_dim3A_389 : f32 to vector<16xf32>
    %swap3A_391 = arith.constant 8 : i32
    %swap3A_392 = arith.index_cast %swap3A_391 : i32 to index
    %swap3A_393 = arith.constant 16 : index
    %swap3A_394 = tpu.vector_load %arg11[%swap3A_392, %swap3A_393] {strides = array<i32>} : memref<16x128xf32, #tpu.memory_space<vmem>>, vector<16xf32>,
    tpu.vector_store %arg11[%swap3A_392, %swap3A_393], %broadcast_in_dim3A_390 {strides = array<i32>} : memref<16x128xf32, #tpu.memory_space<vmem>>, vector<16xf32>,
    %broadcast_in_dim3A_395 = arith.constant 0.000000e+00 : f32
    %broadcast_in_dim3A_396 = vector.broadcast %broadcast_in_dim3A_395 : f32 to vector<16xf32>
    %swap3A_397 = arith.constant 8 : i32
    %swap3A_398 = arith.index_cast %swap3A_397 : i32 to index
    %swap3A_399 = arith.constant 32 : index
    %swap3A_400 = tpu.vector_load %arg11[%swap3A_398, %swap3A_399] {strides = array<i32>} : memref<16x128xf32, #tpu.memory_space<vmem>>, vector<16xf32>,
    tpu.vector_store %arg11[%swap3A_398, %swap3A_399], %broadcast_in_dim3A_396 {strides = array<i32>} : memref<16x128xf32, #tpu.memory_space<vmem>>, vector<16xf32>,
    %broadcast_in_dim3A_401 = arith.constant 0.000000e+00 : f32
    %broadcast_in_dim3A_402 = vector.broadcast %broadcast_in_dim3A_401 : f32 to vector<16xf32>
    %swap3A_403 = arith.constant 8 : i32
    %swap3A_404 = arith.index_cast %swap3A_403 : i32 to index
    %swap3A_405 = arith.constant 48 : index
    %swap3A_406 = tpu.vector_load %arg11[%swap3A_404, %swap3A_405] {strides = array<i32>} : memref<16x128xf32, #tpu.memory_space<vmem>>, vector<16xf32>,
    tpu.vector_store %arg11[%swap3A_404, %swap3A_405], %broadcast_in_dim3A_402 {strides = array<i32>} : memref<16x128xf32, #tpu.memory_space<vmem>>, vector<16xf32>,
    %broadcast_in_dim3A_407 = arith.constant 0.000000e+00 : f32
    %broadcast_in_dim3A_408 = vector.broadcast %broadcast_in_dim3A_407 : f32 to vector<16xf32>
    %swap3A_409 = arith.constant 8 : i32
    %swap3A_410 = arith.index_cast %swap3A_409 : i32 to index
    %swap3A_411 = arith.constant 64 : index
    %swap3A_412 = tpu.vector_load %arg11[%swap3A_410, %swap3A_411] {strides = array<i32>} : memref<16x128xf32, #tpu.memory_space<vmem>>, vector<16xf32>,
    tpu.vector_store %arg11[%swap3A_410, %swap3A_411], %broadcast_in_dim3A_408 {strides = array<i32>} : memref<16x128xf32, #tpu.memory_space<vmem>>, vector<16xf32>,
    %broadcast_in_dim3A_413 = arith.constant 0.000000e+00 : f32
    %broadcast_in_dim3A_414 = vector.broadcast %broadcast_in_dim3A_413 : f32 to vector<16xf32>
    %swap3A_415 = arith.constant 8 : i32
    %swap3A_416 = arith.index_cast %swap3A_415 : i32 to index
    %swap3A_417 = arith.constant 80 : index
    %swap3A_418 = tpu.vector_load %arg11[%swap3A_416, %swap3A_417] {strides = array<i32>} : memref<16x128xf32, #tpu.memory_space<vmem>>, vector<16xf32>,
    tpu.vector_store %arg11[%swap3A_416, %swap3A_417], %broadcast_in_dim3A_414 {strides = array<i32>} : memref<16x128xf32, #tpu.memory_space<vmem>>, vector<16xf32>,
    %broadcast_in_dim3A_419 = arith.constant 0.000000e+00 : f32
    %broadcast_in_dim3A_420 = vector.broadcast %broadcast_in_dim3A_419 : f32 to vector<16xf32>
    %swap3A_421 = arith.constant 8 : i32
    %swap3A_422 = arith.index_cast %swap3A_421 : i32 to index
    %swap3A_423 = arith.constant 96 : index
    %swap3A_424 = tpu.vector_load %arg11[%swap3A_422, %swap3A_423] {strides = array<i32>} : memref<16x128xf32, #tpu.memory_space<vmem>>, vector<16xf32>,
    tpu.vector_store %arg11[%swap3A_422, %swap3A_423], %broadcast_in_dim3A_420 {strides = array<i32>} : memref<16x128xf32, #tpu.memory_space<vmem>>, vector<16xf32>,
    %broadcast_in_dim3A_425 = arith.constant 0.000000e+00 : f32
    %broadcast_in_dim3A_426 = vector.broadcast %broadcast_in_dim3A_425 : f32 to vector<16xf32>
    %swap3A_427 = arith.constant 8 : i32
    %swap3A_428 = arith.index_cast %swap3A_427 : i32 to index
    %swap3A_429 = arith.constant 112 : index
    %swap3A_430 = tpu.vector_load %arg11[%swap3A_428, %swap3A_429] {strides = array<i32>} : memref<16x128xf32, #tpu.memory_space<vmem>>, vector<16xf32>,
    tpu.vector_store %arg11[%swap3A_428, %swap3A_429], %broadcast_in_dim3A_426 {strides = array<i32>} : memref<16x128xf32, #tpu.memory_space<vmem>>, vector<16xf32>,
    %broadcast_in_dim3A_431 = arith.constant 0.000000e+00 : f32
    %broadcast_in_dim3A_432 = vector.broadcast %broadcast_in_dim3A_431 : f32 to vector<16xf32>
    %swap3A_433 = arith.constant 9 : i32
    %swap3A_434 = arith.index_cast %swap3A_433 : i32 to index
    %swap3A_435 = arith.constant 0 : index
    %swap3A_436 = tpu.vector_load %arg11[%swap3A_434, %swap3A_435] {strides = array<i32>} : memref<16x128xf32, #tpu.memory_space<vmem>>, vector<16xf32>,
    tpu.vector_store %arg11[%swap3A_434, %swap3A_435], %broadcast_in_dim3A_432 {strides = array<i32>} : memref<16x128xf32, #tpu.memory_space<vmem>>, vector<16xf32>,
    %broadcast_in_dim3A_437 = arith.constant 0.000000e+00 : f32
    %broadcast_in_dim3A_438 = vector.broadcast %broadcast_in_dim3A_437 : f32 to vector<16xf32>
    %swap3A_439 = arith.constant 9 : i32
    %swap3A_440 = arith.index_cast %swap3A_439 : i32 to index
    %swap3A_441 = arith.constant 16 : index
    %swap3A_442 = tpu.vector_load %arg11[%swap3A_440, %swap3A_441] {strides = array<i32>} : memref<16x128xf32, #tpu.memory_space<vmem>>, vector<16xf32>,
    tpu.vector_store %arg11[%swap3A_440, %swap3A_441], %broadcast_in_dim3A_438 {strides = array<i32>} : memref<16x128xf32, #tpu.memory_space<vmem>>, vector<16xf32>,
    %broadcast_in_dim3A_443 = arith.constant 0.000000e+00 : f32
    %broadcast_in_dim3A_444 = vector.broadcast %broadcast_in_dim3A_443 : f32 to vector<16xf32>
    %swap3A_445 = arith.constant 9 : i32
    %swap3A_446 = arith.index_cast %swap3A_445 : i32 to index
    %swap3A_447 = arith.constant 32 : index
    %swap3A_448 = tpu.vector_load %arg11[%swap3A_446, %swap3A_447] {strides = array<i32>} : memref<16x128xf32, #tpu.memory_space<vmem>>, vector<16xf32>,
    tpu.vector_store %arg11[%swap3A_446, %swap3A_447], %broadcast_in_dim3A_444 {strides = array<i32>} : memref<16x128xf32, #tpu.memory_space<vmem>>, vector<16xf32>,
    %broadcast_in_dim3A_449 = arith.constant 0.000000e+00 : f32
    %broadcast_in_dim3A_450 = vector.broadcast %broadcast_in_dim3A_449 : f32 to vector<16xf32>
    %swap3A_451 = arith.constant 9 : i32
    %swap3A_452 = arith.index_cast %swap3A_451 : i32 to index
    %swap3A_453 = arith.constant 48 : index
    %swap3A_454 = tpu.vector_load %arg11[%swap3A_452, %swap3A_453] {strides = array<i32>} : memref<16x128xf32, #tpu.memory_space<vmem>>, vector<16xf32>,
    tpu.vector_store %arg11[%swap3A_452, %swap3A_453], %broadcast_in_dim3A_450 {strides = array<i32>} : memref<16x128xf32, #tpu.memory_space<vmem>>, vector<16xf32>,
    %broadcast_in_dim3A_455 = arith.constant 0.000000e+00 : f32
    %broadcast_in_dim3A_456 = vector.broadcast %broadcast_in_dim3A_455 : f32 to vector<16xf32>
    %swap3A_457 = arith.constant 9 : i32
    %swap3A_458 = arith.index_cast %swap3A_457 : i32 to index
    %swap3A_459 = arith.constant 64 : index
    %swap3A_460 = tpu.vector_load %arg11[%swap3A_458, %swap3A_459] {strides = array<i32>} : memref<16x128xf32, #tpu.memory_space<vmem>>, vector<16xf32>,
    tpu.vector_store %arg11[%swap3A_458, %swap3A_459], %broadcast_in_dim3A_456 {strides = array<i32>} : memref<16x128xf32, #tpu.memory_space<vmem>>, vector<16xf32>,
    %broadcast_in_dim3A_461 = arith.constant 0.000000e+00 : f32
    %broadcast_in_dim3A_462 = vector.broadcast %broadcast_in_dim3A_461 : f32 to vector<16xf32>
    %swap3A_463 = arith.constant 9 : i32
    %swap3A_464 = arith.index_cast %swap3A_463 : i32 to index
    %swap3A_465 = arith.constant 80 : index
    %swap3A_466 = tpu.vector_load %arg11[%swap3A_464, %swap3A_465] {strides = array<i32>} : memref<16x128xf32, #tpu.memory_space<vmem>>, vector<16xf32>,
    tpu.vector_store %arg11[%swap3A_464, %swap3A_465], %broadcast_in_dim3A_462 {strides = array<i32>} : memref<16x128xf32, #tpu.memory_space<vmem>>, vector<16xf32>,
    %broadcast_in_dim3A_467 = arith.constant 0.000000e+00 : f32
    %broadcast_in_dim3A_468 = vector.broadcast %broadcast_in_dim3A_467 : f32 to vector<16xf32>
    %swap3A_469 = arith.constant 9 : i32
    %swap3A_470 = arith.index_cast %swap3A_469 : i32 to index
    %swap3A_471 = arith.constant 96 : index
    %swap3A_472 = tpu.vector_load %arg11[%swap3A_470, %swap3A_471] {strides = array<i32>} : memref<16x128xf32, #tpu.memory_space<vmem>>, vector<16xf32>,
    tpu.vector_store %arg11[%swap3A_470, %swap3A_471], %broadcast_in_dim3A_468 {strides = array<i32>} : memref<16x128xf32, #tpu.memory_space<vmem>>, vector<16xf32>,
    %broadcast_in_dim3A_473 = arith.constant 0.000000e+00 : f32
    %broadcast_in_dim3A_474 = vector.broadcast %broadcast_in_dim3A_473 : f32 to vector<16xf32>
    %swap3A_475 = arith.constant 9 : i32
    %swap3A_476 = arith.index_cast %swap3A_475 : i32 to index
    %swap3A_477 = arith.constant 112 : index
    %swap3A_478 = tpu.vector_load %arg11[%swap3A_476, %swap3A_477] {strides = array<i32>} : memref<16x128xf32, #tpu.memory_space<vmem>>, vector<16xf32>,
    tpu.vector_store %arg11[%swap3A_476, %swap3A_477], %broadcast_in_dim3A_474 {strides = array<i32>} : memref<16x128xf32, #tpu.memory_space<vmem>>, vector<16xf32>,
    %broadcast_in_dim3A_479 = arith.constant 0.000000e+00 : f32
    %broadcast_in_dim3A_480 = vector.broadcast %broadcast_in_dim3A_479 : f32 to vector<16xf32>
    %swap3A_481 = arith.constant 10 : i32
    %swap3A_482 = arith.index_cast %swap3A_481 : i32 to index
    %swap3A_483 = arith.constant 0 : index
    %swap3A_484 = tpu.vector_load %arg11[%swap3A_482, %swap3A_483] {strides = array<i32>} : memref<16x128xf32, #tpu.memory_space<vmem>>, vector<16xf32>,
    tpu.vector_store %arg11[%swap3A_482, %swap3A_483], %broadcast_in_dim3A_480 {strides = array<i32>} : memref<16x128xf32, #tpu.memory_space<vmem>>, vector<16xf32>,
    %broadcast_in_dim3A_485 = arith.constant 0.000000e+00 : f32
    %broadcast_in_dim3A_486 = vector.broadcast %broadcast_in_dim3A_485 : f32 to vector<16xf32>
    %swap3A_487 = arith.constant 10 : i32
    %swap3A_488 = arith.index_cast %swap3A_487 : i32 to index
    %swap3A_489 = arith.constant 16 : index
    %swap3A_490 = tpu.vector_load %arg11[%swap3A_488, %swap3A_489] {strides = array<i32>} : memref<16x128xf32, #tpu.memory_space<vmem>>, vector<16xf32>,
    tpu.vector_store %arg11[%swap3A_488, %swap3A_489], %broadcast_in_dim3A_486 {strides = array<i32>} : memref<16x128xf32, #tpu.memory_space<vmem>>, vector<16xf32>,
    %broadcast_in_dim3A_491 = arith.constant 0.000000e+00 : f32
    %broadcast_in_dim3A_492 = vector.broadcast %broadcast_in_dim3A_491 : f32 to vector<16xf32>
    %swap3A_493 = arith.constant 10 : i32
    %swap3A_494 = arith.index_cast %swap3A_493 : i32 to index
    %swap3A_495 = arith.constant 32 : index
    %swap3A_496 = tpu.vector_load %arg11[%swap3A_494, %swap3A_495] {strides = array<i32>} : memref<16x128xf32, #tpu.memory_space<vmem>>, vector<16xf32>,
    tpu.vector_store %arg11[%swap3A_494, %swap3A_495], %broadcast_in_dim3A_492 {strides = array<i32>} : memref<16x128xf32, #tpu.memory_space<vmem>>, vector<16xf32>,
    %broadcast_in_dim3A_497 = arith.constant 0.000000e+00 : f32
    %broadcast_in_dim3A_498 = vector.broadcast %broadcast_in_dim3A_497 : f32 to vector<16xf32>
    %swap3A_499 = arith.constant 10 : i32
    %swap3A_500 = arith.index_cast %swap3A_499 : i32 to index
    %swap3A_501 = arith.constant 48 : index
    %swap3A_502 = tpu.vector_load %arg11[%swap3A_500, %swap3A_501] {strides = array<i32>} : memref<16x128xf32, #tpu.memory_space<vmem>>, vector<16xf32>,
    tpu.vector_store %arg11[%swap3A_500, %swap3A_501], %broadcast_in_dim3A_498 {strides = array<i32>} : memref<16x128xf32, #tpu.memory_space<vmem>>, vector<16xf32>,
    %broadcast_in_dim3A_503 = arith.constant 0.000000e+00 : f32
    %broadcast_in_dim3A_504 = vector.broadcast %broadcast_in_dim3A_503 : f32 to vector<16xf32>
    %swap3A_505 = arith.constant 10 : i32
    %swap3A_506 = arith.index_cast %swap3A_505 : i32 to index
    %swap3A_507 = arith.constant 64 : index
    %swap3A_508 = tpu.vector_load %arg11[%swap3A_506, %swap3A_507] {strides = array<i32>} : memref<16x128xf32, #tpu.memory_space<vmem>>, vector<16xf32>,
    tpu.vector_store %arg11[%swap3A_506, %swap3A_507], %broadcast_in_dim3A_504 {strides = array<i32>} : memref<16x128xf32, #tpu.memory_space<vmem>>, vector<16xf32>,
    %broadcast_in_dim3A_509 = arith.constant 0.000000e+00 : f32
    %broadcast_in_dim3A_510 = vector.broadcast %broadcast_in_dim3A_509 : f32 to vector<16xf32>
    %swap3A_511 = arith.constant 10 : i32
    %swap3A_512 = arith.index_cast %swap3A_511 : i32 to index
    %swap3A_513 = arith.constant 80 : index
    %swap3A_514 = tpu.vector_load %arg11[%swap3A_512, %swap3A_513] {strides = array<i32>} : memref<16x128xf32, #tpu.memory_space<vmem>>, vector<16xf32>,
    tpu.vector_store %arg11[%swap3A_512, %swap3A_513], %broadcast_in_dim3A_510 {strides = array<i32>} : memref<16x128xf32, #tpu.memory_space<vmem>>, vector<16xf32>,
    %broadcast_in_dim3A_515 = arith.constant 0.000000e+00 : f32
    %broadcast_in_dim3A_516 = vector.broadcast %broadcast_in_dim3A_515 : f32 to vector<16xf32>
    %swap3A_517 = arith.constant 10 : i32
    %swap3A_518 = arith.index_cast %swap3A_517 : i32 to index
    %swap3A_519 = arith.constant 96 : index
    %swap3A_520 = tpu.vector_load %arg11[%swap3A_518, %swap3A_519] {strides = array<i32>} : memref<16x128xf32, #tpu.memory_space<vmem>>, vector<16xf32>,
    tpu.vector_store %arg11[%swap3A_518, %swap3A_519], %broadcast_in_dim3A_516 {strides = array<i32>} : memref<16x128xf32, #tpu.memory_space<vmem>>, vector<16xf32>,
    %broadcast_in_dim3A_521 = arith.constant 0.000000e+00 : f32
    %broadcast_in_dim3A_522 = vector.broadcast %broadcast_in_dim3A_521 : f32 to vector<16xf32>
    %swap3A_523 = arith.constant 10 : i32
    %swap3A_524 = arith.index_cast %swap3A_523 : i32 to index
    %swap3A_525 = arith.constant 112 : index
    %swap3A_526 = tpu.vector_load %arg11[%swap3A_524, %swap3A_525] {strides = array<i32>} : memref<16x128xf32, #tpu.memory_space<vmem>>, vector<16xf32>,
    tpu.vector_store %arg11[%swap3A_524, %swap3A_525], %broadcast_in_dim3A_522 {strides = array<i32>} : memref<16x128xf32, #tpu.memory_space<vmem>>, vector<16xf32>,
    %broadcast_in_dim3A_527 = arith.constant 0.000000e+00 : f32
    %broadcast_in_dim3A_528 = vector.broadcast %broadcast_in_dim3A_527 : f32 to vector<16xf32>
    %swap3A_529 = arith.constant 11 : i32
    %swap3A_530 = arith.index_cast %swap3A_529 : i32 to index
    %swap3A_531 = arith.constant 0 : index
    %swap3A_532 = tpu.vector_load %arg11[%swap3A_530, %swap3A_531] {strides = array<i32>} : memref<16x128xf32, #tpu.memory_space<vmem>>, vector<16xf32>,
    tpu.vector_store %arg11[%swap3A_530, %swap3A_531], %broadcast_in_dim3A_528 {strides = array<i32>} : memref<16x128xf32, #tpu.memory_space<vmem>>, vector<16xf32>,
    %broadcast_in_dim3A_533 = arith.constant 0.000000e+00 : f32
    %broadcast_in_dim3A_534 = vector.broadcast %broadcast_in_dim3A_533 : f32 to vector<16xf32>
    %swap3A_535 = arith.constant 11 : i32
    %swap3A_536 = arith.index_cast %swap3A_535 : i32 to index
    %swap3A_537 = arith.constant 16 : index
    %swap3A_538 = tpu.vector_load %arg11[%swap3A_536, %swap3A_537] {strides = array<i32>} : memref<16x128xf32, #tpu.memory_space<vmem>>, vector<16xf32>,
    tpu.vector_store %arg11[%swap3A_536, %swap3A_537], %broadcast_in_dim3A_534 {strides = array<i32>} : memref<16x128xf32, #tpu.memory_space<vmem>>, vector<16xf32>,
    %broadcast_in_dim3A_539 = arith.constant 0.000000e+00 : f32
    %broadcast_in_dim3A_540 = vector.broadcast %broadcast_in_dim3A_539 : f32 to vector<16xf32>
    %swap3A_541 = arith.constant 11 : i32
    %swap3A_542 = arith.index_cast %swap3A_541 : i32 to index
    %swap3A_543 = arith.constant 32 : index
    %swap3A_544 = tpu.vector_load %arg11[%swap3A_542, %swap3A_543] {strides = array<i32>} : memref<16x128xf32, #tpu.memory_space<vmem>>, vector<16xf32>,
    tpu.vector_store %arg11[%swap3A_542, %swap3A_543], %broadcast_in_dim3A_540 {strides = array<i32>} : memref<16x128xf32, #tpu.memory_space<vmem>>, vector<16xf32>,
    %broadcast_in_dim3A_545 = arith.constant 0.000000e+00 : f32
    %broadcast_in_dim3A_546 = vector.broadcast %broadcast_in_dim3A_545 : f32 to vector<16xf32>
    %swap3A_547 = arith.constant 11 : i32
    %swap3A_548 = arith.index_cast %swap3A_547 : i32 to index
    %swap3A_549 = arith.constant 48 : index
    %swap3A_550 = tpu.vector_load %arg11[%swap3A_548, %swap3A_549] {strides = array<i32>} : memref<16x128xf32, #tpu.memory_space<vmem>>, vector<16xf32>,
    tpu.vector_store %arg11[%swap3A_548, %swap3A_549], %broadcast_in_dim3A_546 {strides = array<i32>} : memref<16x128xf32, #tpu.memory_space<vmem>>, vector<16xf32>,
    %broadcast_in_dim3A_551 = arith.constant 0.000000e+00 : f32
    %broadcast_in_dim3A_552 = vector.broadcast %broadcast_in_dim3A_551 : f32 to vector<16xf32>
    %swap3A_553 = arith.constant 11 : i32
    %swap3A_554 = arith.index_cast %swap3A_553 : i32 to index
    %swap3A_555 = arith.constant 64 : index
    %swap3A_556 = tpu.vector_load %arg11[%swap3A_554, %swap3A_555] {strides = array<i32>} : memref<16x128xf32, #tpu.memory_space<vmem>>, vector<16xf32>,
    tpu.vector_store %arg11[%swap3A_554, %swap3A_555], %broadcast_in_dim3A_552 {strides = array<i32>} : memref<16x128xf32, #tpu.memory_space<vmem>>, vector<16xf32>,
    %broadcast_in_dim3A_557 = arith.constant 0.000000e+00 : f32
    %broadcast_in_dim3A_558 = vector.broadcast %broadcast_in_dim3A_557 : f32 to vector<16xf32>
    %swap3A_559 = arith.constant 11 : i32
    %swap3A_560 = arith.index_cast %swap3A_559 : i32 to index
    %swap3A_561 = arith.constant 80 : index
    %swap3A_562 = tpu.vector_load %arg11[%swap3A_560, %swap3A_561] {strides = array<i32>} : memref<16x128xf32, #tpu.memory_space<vmem>>, vector<16xf32>,
    tpu.vector_store %arg11[%swap3A_560, %swap3A_561], %broadcast_in_dim3A_558 {strides = array<i32>} : memref<16x128xf32, #tpu.memory_space<vmem>>, vector<16xf32>,
    %broadcast_in_dim3A_563 = arith.constant 0.000000e+00 : f32
    %broadcast_in_dim3A_564 = vector.broadcast %broadcast_in_dim3A_563 : f32 to vector<16xf32>
    %swap3A_565 = arith.constant 11 : i32
    %swap3A_566 = arith.index_cast %swap3A_565 : i32 to index
    %swap3A_567 = arith.constant 96 : index
    %swap3A_568 = tpu.vector_load %arg11[%swap3A_566, %swap3A_567] {strides = array<i32>} : memref<16x128xf32, #tpu.memory_space<vmem>>, vector<16xf32>,
    tpu.vector_store %arg11[%swap3A_566, %swap3A_567], %broadcast_in_dim3A_564 {strides = array<i32>} : memref<16x128xf32, #tpu.memory_space<vmem>>, vector<16xf32>,
    %broadcast_in_dim3A_569 = arith.constant 0.000000e+00 : f32
    %broadcast_in_dim3A_570 = vector.broadcast %broadcast_in_dim3A_569 : f32 to vector<16xf32>
    %swap3A_571 = arith.constant 11 : i32
    %swap3A_572 = arith.index_cast %swap3A_571 : i32 to index
    %swap3A_573 = arith.constant 112 : index
    %swap3A_574 = tpu.vector_load %arg11[%swap3A_572, %swap3A_573] {strides = array<i32>} : memref<16x128xf32, #tpu.memory_space<vmem>>, vector<16xf32>,
    tpu.vector_store %arg11[%swap3A_572, %swap3A_573], %broadcast_in_dim3A_570 {strides = array<i32>} : memref<16x128xf32, #tpu.memory_space<vmem>>, vector<16xf32>,
    %broadcast_in_dim3A_575 = arith.constant 0.000000e+00 : f32
    %broadcast_in_dim3A_576 = vector.broadcast %broadcast_in_dim3A_575 : f32 to vector<16xf32>
    %swap3A_577 = arith.constant 12 : i32
    %swap3A_578 = arith.index_cast %swap3A_577 : i32 to index
    %swap3A_579 = arith.constant 0 : index
    %swap3A_580 = tpu.vector_load %arg11[%swap3A_578, %swap3A_579] {strides = array<i32>} : memref<16x128xf32, #tpu.memory_space<vmem>>, vector<16xf32>,
    tpu.vector_store %arg11[%swap3A_578, %swap3A_579], %broadcast_in_dim3A_576 {strides = array<i32>} : memref<16x128xf32, #tpu.memory_space<vmem>>, vector<16xf32>,
    %broadcast_in_dim3A_581 = arith.constant 0.000000e+00 : f32
    %broadcast_in_dim3A_582 = vector.broadcast %broadcast_in_dim3A_581 : f32 to vector<16xf32>
    %swap3A_583 = arith.constant 12 : i32
    %swap3A_584 = arith.index_cast %swap3A_583 : i32 to index
    %swap3A_585 = arith.constant 16 : index
    %swap3A_586 = tpu.vector_load %arg11[%swap3A_584, %swap3A_585] {strides = array<i32>} : memref<16x128xf32, #tpu.memory_space<vmem>>, vector<16xf32>,
    tpu.vector_store %arg11[%swap3A_584, %swap3A_585], %broadcast_in_dim3A_582 {strides = array<i32>} : memref<16x128xf32, #tpu.memory_space<vmem>>, vector<16xf32>,
    %broadcast_in_dim3A_587 = arith.constant 0.000000e+00 : f32
    %broadcast_in_dim3A_588 = vector.broadcast %broadcast_in_dim3A_587 : f32 to vector<16xf32>
    %swap3A_589 = arith.constant 12 : i32
    %swap3A_590 = arith.index_cast %swap3A_589 : i32 to index
    %swap3A_591 = arith.constant 32 : index
    %swap3A_592 = tpu.vector_load %arg11[%swap3A_590, %swap3A_591] {strides = array<i32>} : memref<16x128xf32, #tpu.memory_space<vmem>>, vector<16xf32>,
    tpu.vector_store %arg11[%swap3A_590, %swap3A_591], %broadcast_in_dim3A_588 {strides = array<i32>} : memref<16x128xf32, #tpu.memory_space<vmem>>, vector<16xf32>,
    %broadcast_in_dim3A_593 = arith.constant 0.000000e+00 : f32
    %broadcast_in_dim3A_594 = vector.broadcast %broadcast_in_dim3A_593 : f32 to vector<16xf32>
    %swap3A_595 = arith.constant 12 : i32
    %swap3A_596 = arith.index_cast %swap3A_595 : i32 to index
    %swap3A_597 = arith.constant 48 : index
    %swap3A_598 = tpu.vector_load %arg11[%swap3A_596, %swap3A_597] {strides = array<i32>} : memref<16x128xf32, #tpu.memory_space<vmem>>, vector<16xf32>,
    tpu.vector_store %arg11[%swap3A_596, %swap3A_597], %broadcast_in_dim3A_594 {strides = array<i32>} : memref<16x128xf32, #tpu.memory_space<vmem>>, vector<16xf32>,
    %broadcast_in_dim3A_599 = arith.constant 0.000000e+00 : f32
    %broadcast_in_dim3A_600 = vector.broadcast %broadcast_in_dim3A_599 : f32 to vector<16xf32>
    %swap3A_601 = arith.constant 12 : i32
    %swap3A_602 = arith.index_cast %swap3A_601 : i32 to index
    %swap3A_603 = arith.constant 64 : index
    %swap3A_604 = tpu.vector_load %arg11[%swap3A_602, %swap3A_603] {strides = array<i32>} : memref<16x128xf32, #tpu.memory_space<vmem>>, vector<16xf32>,
    tpu.vector_store %arg11[%swap3A_602, %swap3A_603], %broadcast_in_dim3A_600 {strides = array<i32>} : memref<16x128xf32, #tpu.memory_space<vmem>>, vector<16xf32>,
    %broadcast_in_dim3A_605 = arith.constant 0.000000e+00 : f32
    %broadcast_in_dim3A_606 = vector.broadcast %broadcast_in_dim3A_605 : f32 to vector<16xf32>
    %swap3A_607 = arith.constant 12 : i32
    %swap3A_608 = arith.index_cast %swap3A_607 : i32 to index
    %swap3A_609 = arith.constant 80 : index
    %swap3A_610 = tpu.vector_load %arg11[%swap3A_608, %swap3A_609] {strides = array<i32>} : memref<16x128xf32, #tpu.memory_space<vmem>>, vector<16xf32>,
    tpu.vector_store %arg11[%swap3A_608, %swap3A_609], %broadcast_in_dim3A_606 {strides = array<i32>} : memref<16x128xf32, #tpu.memory_space<vmem>>, vector<16xf32>,
    %broadcast_in_dim3A_611 = arith.constant 0.000000e+00 : f32
    %broadcast_in_dim3A_612 = vector.broadcast %broadcast_in_dim3A_611 : f32 to vector<16xf32>
    %swap3A_613 = arith.constant 12 : i32
    %swap3A_614 = arith.index_cast %swap3A_613 : i32 to index
    %swap3A_615 = arith.constant 96 : index
    %swap3A_616 = tpu.vector_load %arg11[%swap3A_614, %swap3A_615] {strides = array<i32>} : memref<16x128xf32, #tpu.memory_space<vmem>>, vector<16xf32>,
    tpu.vector_store %arg11[%swap3A_614, %swap3A_615], %broadcast_in_dim3A_612 {strides = array<i32>} : memref<16x128xf32, #tpu.memory_space<vmem>>, vector<16xf32>,
    %broadcast_in_dim3A_617 = arith.constant 0.000000e+00 : f32
    %broadcast_in_dim3A_618 = vector.broadcast %broadcast_in_dim3A_617 : f32 to vector<16xf32>
    %swap3A_619 = arith.constant 12 : i32
    %swap3A_620 = arith.index_cast %swap3A_619 : i32 to index
    %swap3A_621 = arith.constant 112 : index
    %swap3A_622 = tpu.vector_load %arg11[%swap3A_620, %swap3A_621] {strides = array<i32>} : memref<16x128xf32, #tpu.memory_space<vmem>>, vector<16xf32>,
    tpu.vector_store %arg11[%swap3A_620, %swap3A_621], %broadcast_in_dim3A_618 {strides = array<i32>} : memref<16x128xf32, #tpu.memory_space<vmem>>, vector<16xf32>,
    %broadcast_in_dim3A_623 = arith.constant 0.000000e+00 : f32
    %broadcast_in_dim3A_624 = vector.broadcast %broadcast_in_dim3A_623 : f32 to vector<16xf32>
    %swap3A_625 = arith.constant 13 : i32
    %swap3A_626 = arith.index_cast %swap3A_625 : i32 to index
    %swap3A_627 = arith.constant 0 : index
    %swap3A_628 = tpu.vector_load %arg11[%swap3A_626, %swap3A_627] {strides = array<i32>} : memref<16x128xf32, #tpu.memory_space<vmem>>, vector<16xf32>,
    tpu.vector_store %arg11[%swap3A_626, %swap3A_627], %broadcast_in_dim3A_624 {strides = array<i32>} : memref<16x128xf32, #tpu.memory_space<vmem>>, vector<16xf32>,
    %broadcast_in_dim3A_629 = arith.constant 0.000000e+00 : f32
    %broadcast_in_dim3A_630 = vector.broadcast %broadcast_in_dim3A_629 : f32 to vector<16xf32>
    %swap3A_631 = arith.constant 13 : i32
    %swap3A_632 = arith.index_cast %swap3A_631 : i32 to index
    %swap3A_633 = arith.constant 16 : index
    %swap3A_634 = tpu.vector_load %arg11[%swap3A_632, %swap3A_633] {strides = array<i32>} : memref<16x128xf32, #tpu.memory_space<vmem>>, vector<16xf32>,
    tpu.vector_store %arg11[%swap3A_632, %swap3A_633], %broadcast_in_dim3A_630 {strides = array<i32>} : memref<16x128xf32, #tpu.memory_space<vmem>>, vector<16xf32>,
    %broadcast_in_dim3A_635 = arith.constant 0.000000e+00 : f32
    %broadcast_in_dim3A_636 = vector.broadcast %broadcast_in_dim3A_635 : f32 to vector<16xf32>
    %swap3A_637 = arith.constant 13 : i32
    %swap3A_638 = arith.index_cast %swap3A_637 : i32 to index
    %swap3A_639 = arith.constant 32 : index
    %swap3A_640 = tpu.vector_load %arg11[%swap3A_638, %swap3A_639] {strides = array<i32>} : memref<16x128xf32, #tpu.memory_space<vmem>>, vector<16xf32>,
    tpu.vector_store %arg11[%swap3A_638, %swap3A_639], %broadcast_in_dim3A_636 {strides = array<i32>} : memref<16x128xf32, #tpu.memory_space<vmem>>, vector<16xf32>,
    %broadcast_in_dim3A_641 = arith.constant 0.000000e+00 : f32
    %broadcast_in_dim3A_642 = vector.broadcast %broadcast_in_dim3A_641 : f32 to vector<16xf32>
    %swap3A_643 = arith.constant 13 : i32
    %swap3A_644 = arith.index_cast %swap3A_643 : i32 to index
    %swap3A_645 = arith.constant 48 : index
    %swap3A_646 = tpu.vector_load %arg11[%swap3A_644, %swap3A_645] {strides = array<i32>} : memref<16x128xf32, #tpu.memory_space<vmem>>, vector<16xf32>,
    tpu.vector_store %arg11[%swap3A_644, %swap3A_645], %broadcast_in_dim3A_642 {strides = array<i32>} : memref<16x128xf32, #tpu.memory_space<vmem>>, vector<16xf32>,
    %broadcast_in_dim3A_647 = arith.constant 0.000000e+00 : f32
    %broadcast_in_dim3A_648 = vector.broadcast %broadcast_in_dim3A_647 : f32 to vector<16xf32>
    %swap3A_649 = arith.constant 13 : i32
    %swap3A_650 = arith.index_cast %swap3A_649 : i32 to index
    %swap3A_651 = arith.constant 64 : index
    %swap3A_652 = tpu.vector_load %arg11[%swap3A_650, %swap3A_651] {strides = array<i32>} : memref<16x128xf32, #tpu.memory_space<vmem>>, vector<16xf32>,
    tpu.vector_store %arg11[%swap3A_650, %swap3A_651], %broadcast_in_dim3A_648 {strides = array<i32>} : memref<16x128xf32, #tpu.memory_space<vmem>>, vector<16xf32>,
    %broadcast_in_dim3A_653 = arith.constant 0.000000e+00 : f32
    %broadcast_in_dim3A_654 = vector.broadcast %broadcast_in_dim3A_653 : f32 to vector<16xf32>
    %swap3A_655 = arith.constant 13 : i32
    %swap3A_656 = arith.index_cast %swap3A_655 : i32 to index
    %swap3A_657 = arith.constant 80 : index
    %swap3A_658 = tpu.vector_load %arg11[%swap3A_656, %swap3A_657] {strides = array<i32>} : memref<16x128xf32, #tpu.memory_space<vmem>>, vector<16xf32>,
    tpu.vector_store %arg11[%swap3A_656, %swap3A_657], %broadcast_in_dim3A_654 {strides = array<i32>} : memref<16x128xf32, #tpu.memory_space<vmem>>, vector<16xf32>,
    %broadcast_in_dim3A_659 = arith.constant 0.000000e+00 : f32
    %broadcast_in_dim3A_660 = vector.broadcast %broadcast_in_dim3A_659 : f32 to vector<16xf32>
    %swap3A_661 = arith.constant 13 : i32
    %swap3A_662 = arith.index_cast %swap3A_661 : i32 to index
    %swap3A_663 = arith.constant 96 : index
    %swap3A_664 = tpu.vector_load %arg11[%swap3A_662, %swap3A_663] {strides = array<i32>} : memref<16x128xf32, #tpu.memory_space<vmem>>, vector<16xf32>,
    tpu.vector_store %arg11[%swap3A_662, %swap3A_663], %broadcast_in_dim3A_660 {strides = array<i32>} : memref<16x128xf32, #tpu.memory_space<vmem>>, vector<16xf32>,
    %broadcast_in_dim3A_665 = arith.constant 0.000000e+00 : f32
    %broadcast_in_dim3A_666 = vector.broadcast %broadcast_in_dim3A_665 : f32 to vector<16xf32>
    %swap3A_667 = arith.constant 13 : i32
    %swap3A_668 = arith.index_cast %swap3A_667 : i32 to index
    %swap3A_669 = arith.constant 112 : index
    %swap3A_670 = tpu.vector_load %arg11[%swap3A_668, %swap3A_669] {strides = array<i32>} : memref<16x128xf32, #tpu.memory_space<vmem>>, vector<16xf32>,
    tpu.vector_store %arg11[%swap3A_668, %swap3A_669], %broadcast_in_dim3A_666 {strides = array<i32>} : memref<16x128xf32, #tpu.memory_space<vmem>>, vector<16xf32>,
    %broadcast_in_dim3A_671 = arith.constant 0.000000e+00 : f32
    %broadcast_in_dim3A_672 = vector.broadcast %broadcast_in_dim3A_671 : f32 to vector<16xf32>
    %swap3A_673 = arith.constant 14 : i32
    %swap3A_674 = arith.index_cast %swap3A_673 : i32 to index
    %swap3A_675 = arith.constant 0 : index
    %swap3A_676 = tpu.vector_load %arg11[%swap3A_674, %swap3A_675] {strides = array<i32>} : memref<16x128xf32, #tpu.memory_space<vmem>>, vector<16xf32>,
    tpu.vector_store %arg11[%swap3A_674, %swap3A_675], %broadcast_in_dim3A_672 {strides = array<i32>} : memref<16x128xf32, #tpu.memory_space<vmem>>, vector<16xf32>,
    %broadcast_in_dim3A_677 = arith.constant 0.000000e+00 : f32
    %broadcast_in_dim3A_678 = vector.broadcast %broadcast_in_dim3A_677 : f32 to vector<16xf32>
    %swap3A_679 = arith.constant 14 : i32
    %swap3A_680 = arith.index_cast %swap3A_679 : i32 to index
    %swap3A_681 = arith.constant 16 : index
    %swap3A_682 = tpu.vector_load %arg11[%swap3A_680, %swap3A_681] {strides = array<i32>} : memref<16x128xf32, #tpu.memory_space<vmem>>, vector<16xf32>,
    tpu.vector_store %arg11[%swap3A_680, %swap3A_681], %broadcast_in_dim3A_678 {strides = array<i32>} : memref<16x128xf32, #tpu.memory_space<vmem>>, vector<16xf32>,
    %broadcast_in_dim3A_683 = arith.constant 0.000000e+00 : f32
    %broadcast_in_dim3A_684 = vector.broadcast %broadcast_in_dim3A_683 : f32 to vector<16xf32>
    %swap3A_685 = arith.constant 14 : i32
    %swap3A_686 = arith.index_cast %swap3A_685 : i32 to index
    %swap3A_687 = arith.constant 32 : index
    %swap3A_688 = tpu.vector_load %arg11[%swap3A_686, %swap3A_687] {strides = array<i32>} : memref<16x128xf32, #tpu.memory_space<vmem>>, vector<16xf32>,
    tpu.vector_store %arg11[%swap3A_686, %swap3A_687], %broadcast_in_dim3A_684 {strides = array<i32>} : memref<16x128xf32, #tpu.memory_space<vmem>>, vector<16xf32>,
    %broadcast_in_dim3A_689 = arith.constant 0.000000e+00 : f32
    %broadcast_in_dim3A_690 = vector.broadcast %broadcast_in_dim3A_689 : f32 to vector<16xf32>
    %swap3A_691 = arith.constant 14 : i32
    %swap3A_692 = arith.index_cast %swap3A_691 : i32 to index
    %swap3A_693 = arith.constant 48 : index
    %swap3A_694 = tpu.vector_load %arg11[%swap3A_692, %swap3A_693] {strides = array<i32>} : memref<16x128xf32, #tpu.memory_space<vmem>>, vector<16xf32>,
    tpu.vector_store %arg11[%swap3A_692, %swap3A_693], %broadcast_in_dim3A_690 {strides = array<i32>} : memref<16x128xf32, #tpu.memory_space<vmem>>, vector<16xf32>,
    %broadcast_in_dim3A_695 = arith.constant 0.000000e+00 : f32
    %broadcast_in_dim3A_696 = vector.broadcast %broadcast_in_dim3A_695 : f32 to vector<16xf32>
    %swap3A_697 = arith.constant 14 : i32
    %swap3A_698 = arith.index_cast %swap3A_697 : i32 to index
    %swap3A_699 = arith.constant 64 : index
    %swap3A_700 = tpu.vector_load %arg11[%swap3A_698, %swap3A_699] {strides = array<i32>} : memref<16x128xf32, #tpu.memory_space<vmem>>, vector<16xf32>,
    tpu.vector_store %arg11[%swap3A_698, %swap3A_699], %broadcast_in_dim3A_696 {strides = array<i32>} : memref<16x128xf32, #tpu.memory_space<vmem>>, vector<16xf32>,
    %broadcast_in_dim3A_701 = arith.constant 0.000000e+00 : f32
    %broadcast_in_dim3A_702 = vector.broadcast %broadcast_in_dim3A_701 : f32 to vector<16xf32>
    %swap3A_703 = arith.constant 14 : i32
    %swap3A_704 = arith.index_cast %swap3A_703 : i32 to index
    %swap3A_705 = arith.constant 80 : index
    %swap3A_706 = tpu.vector_load %arg11[%swap3A_704, %swap3A_705] {strides = array<i32>} : memref<16x128xf32, #tpu.memory_space<vmem>>, vector<16xf32>,
    tpu.vector_store %arg11[%swap3A_704, %swap3A_705], %broadcast_in_dim3A_702 {strides = array<i32>} : memref<16x128xf32, #tpu.memory_space<vmem>>, vector<16xf32>,
    %broadcast_in_dim3A_707 = arith.constant 0.000000e+00 : f32
    %broadcast_in_dim3A_708 = vector.broadcast %broadcast_in_dim3A_707 : f32 to vector<16xf32>
    %swap3A_709 = arith.constant 14 : i32
    %swap3A_710 = arith.index_cast %swap3A_709 : i32 to index
    %swap3A_711 = arith.constant 96 : index
    %swap3A_712 = tpu.vector_load %arg11[%swap3A_710, %swap3A_711] {strides = array<i32>} : memref<16x128xf32, #tpu.memory_space<vmem>>, vector<16xf32>,
    tpu.vector_store %arg11[%swap3A_710, %swap3A_711], %broadcast_in_dim3A_708 {strides = array<i32>} : memref<16x128xf32, #tpu.memory_space<vmem>>, vector<16xf32>,
    %broadcast_in_dim3A_713 = arith.constant 0.000000e+00 : f32
    %broadcast_in_dim3A_714 = vector.broadcast %broadcast_in_dim3A_713 : f32 to vector<16xf32>
    %swap3A_715 = arith.constant 14 : i32
    %swap3A_716 = arith.index_cast %swap3A_715 : i32 to index
    %swap3A_717 = arith.constant 112 : index
    %swap3A_718 = tpu.vector_load %arg11[%swap3A_716, %swap3A_717] {strides = array<i32>} : memref<16x128xf32, #tpu.memory_space<vmem>>, vector<16xf32>,
    tpu.vector_store %arg11[%swap3A_716, %swap3A_717], %broadcast_in_dim3A_714 {strides = array<i32>} : memref<16x128xf32, #tpu.memory_space<vmem>>, vector<16xf32>,
    %broadcast_in_dim3A_719 = arith.constant 0.000000e+00 : f32
    %broadcast_in_dim3A_720 = vector.broadcast %broadcast_in_dim3A_719 : f32 to vector<16xf32>
    %swap3A_721 = arith.constant 15 : i32
    %swap3A_722 = arith.index_cast %swap3A_721 : i32 to index
    %swap3A_723 = arith.constant 0 : index
    %swap3A_724 = tpu.vector_load %arg11[%swap3A_722, %swap3A_723] {strides = array<i32>} : memref<16x128xf32, #tpu.memory_space<vmem>>, vector<16xf32>,
    tpu.vector_store %arg11[%swap3A_722, %swap3A_723], %broadcast_in_dim3A_720 {strides = array<i32>} : memref<16x128xf32, #tpu.memory_space<vmem>>, vector<16xf32>,
    %broadcast_in_dim3A_725 = arith.constant 0.000000e+00 : f32
    %broadcast_in_dim3A_726 = vector.broadcast %broadcast_in_dim3A_725 : f32 to vector<16xf32>
    %swap3A_727 = arith.constant 15 : i32
    %swap3A_728 = arith.index_cast %swap3A_727 : i32 to index
    %swap3A_729 = arith.constant 16 : index
    %swap3A_730 = tpu.vector_load %arg11[%swap3A_728, %swap3A_729] {strides = array<i32>} : memref<16x128xf32, #tpu.memory_space<vmem>>, vector<16xf32>,
    tpu.vector_store %arg11[%swap3A_728, %swap3A_729], %broadcast_in_dim3A_726 {strides = array<i32>} : memref<16x128xf32, #tpu.memory_space<vmem>>, vector<16xf32>,
    %broadcast_in_dim3A_731 = arith.constant 0.000000e+00 : f32
    %broadcast_in_dim3A_732 = vector.broadcast %broadcast_in_dim3A_731 : f32 to vector<16xf32>
    %swap3A_733 = arith.constant 15 : i32
    %swap3A_734 = arith.index_cast %swap3A_733 : i32 to index
    %swap3A_735 = arith.constant 32 : index
    %swap3A_736 = tpu.vector_load %arg11[%swap3A_734, %swap3A_735] {strides = array<i32>} : memref<16x128xf32, #tpu.memory_space<vmem>>, vector<16xf32>,
    tpu.vector_store %arg11[%swap3A_734, %swap3A_735], %broadcast_in_dim3A_732 {strides = array<i32>} : memref<16x128xf32, #tpu.memory_space<vmem>>, vector<16xf32>,
    %broadcast_in_dim3A_737 = arith.constant 0.000000e+00 : f32
    %broadcast_in_dim3A_738 = vector.broadcast %broadcast_in_dim3A_737 : f32 to vector<16xf32>
    %swap3A_739 = arith.constant 15 : i32
    %swap3A_740 = arith.index_cast %swap3A_739 : i32 to index
    %swap3A_741 = arith.constant 48 : index
    %swap3A_742 = tpu.vector_load %arg11[%swap3A_740, %swap3A_741] {strides = array<i32>} : memref<16x128xf32, #tpu.memory_space<vmem>>, vector<16xf32>,
    tpu.vector_store %arg11[%swap3A_740, %swap3A_741], %broadcast_in_dim3A_738 {strides = array<i32>} : memref<16x128xf32, #tpu.memory_space<vmem>>, vector<16xf32>,
    %broadcast_in_dim3A_743 = arith.constant 0.000000e+00 : f32
    %broadcast_in_dim3A_744 = vector.broadcast %broadcast_in_dim3A_743 : f32 to vector<16xf32>
    %swap3A_745 = arith.constant 15 : i32
    %swap3A_746 = arith.index_cast %swap3A_745 : i32 to index
    %swap3A_747 = arith.constant 64 : index
    %swap3A_748 = tpu.vector_load %arg11[%swap3A_746, %swap3A_747] {strides = array<i32>} : memref<16x128xf32, #tpu.memory_space<vmem>>, vector<16xf32>,
    tpu.vector_store %arg11[%swap3A_746, %swap3A_747], %broadcast_in_dim3A_744 {strides = array<i32>} : memref<16x128xf32, #tpu.memory_space<vmem>>, vector<16xf32>,
    %broadcast_in_dim3A_749 = arith.constant 0.000000e+00 : f32
    %broadcast_in_dim3A_750 = vector.broadcast %broadcast_in_dim3A_749 : f32 to vector<16xf32>
    %swap3A_751 = arith.constant 15 : i32
    %swap3A_752 = arith.index_cast %swap3A_751 : i32 to index
    %swap3A_753 = arith.constant 80 : index
    %swap3A_754 = tpu.vector_load %arg11[%swap3A_752, %swap3A_753] {strides = array<i32>} : memref<16x128xf32, #tpu.memory_space<vmem>>, vector<16xf32>,
    tpu.vector_store %arg11[%swap3A_752, %swap3A_753], %broadcast_in_dim3A_750 {strides = array<i32>} : memref<16x128xf32, #tpu.memory_space<vmem>>, vector<16xf32>,
    %broadcast_in_dim3A_755 = arith.constant 0.000000e+00 : f32
    %broadcast_in_dim3A_756 = vector.broadcast %broadcast_in_dim3A_755 : f32 to vector<16xf32>
    %swap3A_757 = arith.constant 15 : i32
    %swap3A_758 = arith.index_cast %swap3A_757 : i32 to index
    %swap3A_759 = arith.constant 96 : index
    %swap3A_760 = tpu.vector_load %arg11[%swap3A_758, %swap3A_759] {strides = array<i32>} : memref<16x128xf32, #tpu.memory_space<vmem>>, vector<16xf32>,
    tpu.vector_store %arg11[%swap3A_758, %swap3A_759], %broadcast_in_dim3A_756 {strides = array<i32>} : memref<16x128xf32, #tpu.memory_space<vmem>>, vector<16xf32>,
    %broadcast_in_dim3A_761 = arith.constant 0.000000e+00 : f32
    %broadcast_in_dim3A_762 = vector.broadcast %broadcast_in_dim3A_761 : f32 to vector<16xf32>
    %swap3A_763 = arith.constant 15 : i32
    %swap3A_764 = arith.index_cast %swap3A_763 : i32 to index
    %swap3A_765 = arith.constant 112 : index
    %swap3A_766 = tpu.vector_load %arg11[%swap3A_764, %swap3A_765] {strides = array<i32>} : memref<16x128xf32, #tpu.memory_space<vmem>>, vector<16xf32>,
    tpu.vector_store %arg11[%swap3A_764, %swap3A_765], %broadcast_in_dim3A_762 {strides = array<i32>} : memref<16x128xf32, #tpu.memory_space<vmem>>, vector<16xf32>,
    %iota3A = tpu.iota {dimensions = array<i32: 0>} : vector<16xi32>
    %add3A_767 = arith.constant 0 : i32
    %add3A_768 = vector.broadcast %add3A_767 : i32 to vector<16xi32>
    %add3A_769 = arith.addi %iota3A, %add3A_768 : vector<16xi32>
    %swap3A_770 = arith.constant 0 : index
    %swap3A_771 = tpu.vector_load %arg12[%swap3A_770] {strides = array<i32>} : memref<80xi32, #tpu.memory_space<vmem>>, vector<16xi32>,
    tpu.vector_store %arg12[%swap3A_770], %add3A_769 {strides = array<i32>} : memref<80xi32, #tpu.memory_space<vmem>>, vector<16xi32>,
    %iota3A_772 = tpu.iota {dimensions = array<i32: 0>} : vector<16xi32>
    %add3A_773 = arith.constant 16 : i32
    %add3A_774 = vector.broadcast %add3A_773 : i32 to vector<16xi32>
    %add3A_775 = arith.addi %iota3A_772, %add3A_774 : vector<16xi32>
    %swap3A_776 = arith.constant 16 : index
    %swap3A_777 = tpu.vector_load %arg12[%swap3A_776] {strides = array<i32>} : memref<80xi32, #tpu.memory_space<vmem>>, vector<16xi32>,
    tpu.vector_store %arg12[%swap3A_776], %add3A_775 {strides = array<i32>} : memref<80xi32, #tpu.memory_space<vmem>>, vector<16xi32>,
    %iota3A_778 = tpu.iota {dimensions = array<i32: 0>} : vector<16xi32>
    %add3A_779 = arith.constant 32 : i32
    %add3A_780 = vector.broadcast %add3A_779 : i32 to vector<16xi32>
    %add3A_781 = arith.addi %iota3A_778, %add3A_780 : vector<16xi32>
    %swap3A_782 = arith.constant 32 : index
    %swap3A_783 = tpu.vector_load %arg12[%swap3A_782] {strides = array<i32>} : memref<80xi32, #tpu.memory_space<vmem>>, vector<16xi32>,
    tpu.vector_store %arg12[%swap3A_782], %add3A_781 {strides = array<i32>} : memref<80xi32, #tpu.memory_space<vmem>>, vector<16xi32>,
    %iota3A_784 = tpu.iota {dimensions = array<i32: 0>} : vector<16xi32>
    %add3A_785 = arith.constant 48 : i32
    %add3A_786 = vector.broadcast %add3A_785 : i32 to vector<16xi32>
    %add3A_787 = arith.addi %iota3A_784, %add3A_786 : vector<16xi32>
    %swap3A_788 = arith.constant 48 : index
    %swap3A_789 = tpu.vector_load %arg12[%swap3A_788] {strides = array<i32>} : memref<80xi32, #tpu.memory_space<vmem>>, vector<16xi32>,
    tpu.vector_store %arg12[%swap3A_788], %add3A_787 {strides = array<i32>} : memref<80xi32, #tpu.memory_space<vmem>>, vector<16xi32>,
    %iota3A_790 = tpu.iota {dimensions = array<i32: 0>} : vector<16xi32>
    %add3A_791 = arith.constant 64 : i32
    %add3A_792 = vector.broadcast %add3A_791 : i32 to vector<16xi32>
    %add3A_793 = arith.addi %iota3A_790, %add3A_792 : vector<16xi32>
    %swap3A_794 = arith.constant 64 : index
    %swap3A_795 = tpu.vector_load %arg12[%swap3A_794] {strides = array<i32>} : memref<80xi32, #tpu.memory_space<vmem>>, vector<16xi32>,
    tpu.vector_store %arg12[%swap3A_794], %add3A_793 {strides = array<i32>} : memref<80xi32, #tpu.memory_space<vmem>>, vector<16xi32>,
    %scan3A = arith.constant 0 : i32
    %scan3A_796 = arith.constant 0 : i32
    %scan3A_797 = arith.constant 80 : i32
    %scan3A_798 = arith.addi %scan3A_796, %scan3A_797 : i32
    %scan3A_799 = arith.constant 1 : i32
    scf.for %scan3A_900 = %scan3A_796 to %scan3A_798 step %scan3A_799  : i32 {
      %broadcast_in_dim3A_901 = arith.constant 0.000000e+00 : f32
      %broadcast_in_dim3A_902 = vector.broadcast %broadcast_in_dim3A_901 : f32 to vector<16xf32>
      %swap3A_903 = arith.index_cast %scan3A_900 : i32 to index
      %swap3A_904 = arith.constant 0 : index
      %swap3A_905 = tpu.vector_load %arg10[%swap3A_903, %swap3A_904] {strides = array<i32>} : memref<80x128xf32, #tpu.memory_space<vmem>>, vector<16xf32>,
      tpu.vector_store %arg10[%swap3A_903, %swap3A_904], %broadcast_in_dim3A_902 {strides = array<i32>} : memref<80x128xf32, #tpu.memory_space<vmem>>, vector<16xf32>,
      %broadcast_in_dim3A_906 = arith.constant 0.000000e+00 : f32
      %broadcast_in_dim3A_907 = vector.broadcast %broadcast_in_dim3A_906 : f32 to vector<16xf32>
      %swap3A_908 = arith.index_cast %scan3A_900 : i32 to index
      %swap3A_909 = arith.constant 16 : index
      %swap3A_910 = tpu.vector_load %arg10[%swap3A_908, %swap3A_909] {strides = array<i32>} : memref<80x128xf32, #tpu.memory_space<vmem>>, vector<16xf32>,
      tpu.vector_store %arg10[%swap3A_908, %swap3A_909], %broadcast_in_dim3A_907 {strides = array<i32>} : memref<80x128xf32, #tpu.memory_space<vmem>>, vector<16xf32>,
      %broadcast_in_dim3A_911 = arith.constant 0.000000e+00 : f32
      %broadcast_in_dim3A_912 = vector.broadcast %broadcast_in_dim3A_911 : f32 to vector<16xf32>
      %swap3A_913 = arith.index_cast %scan3A_900 : i32 to index
      %swap3A_914 = arith.constant 32 : index
      %swap3A_915 = tpu.vector_load %arg10[%swap3A_913, %swap3A_914] {strides = array<i32>} : memref<80x128xf32, #tpu.memory_space<vmem>>, vector<16xf32>,
      tpu.vector_store %arg10[%swap3A_913, %swap3A_914], %broadcast_in_dim3A_912 {strides = array<i32>} : memref<80x128xf32, #tpu.memory_space<vmem>>, vector<16xf32>,
      %broadcast_in_dim3A_916 = arith.constant 0.000000e+00 : f32
      %broadcast_in_dim3A_917 = vector.broadcast %broadcast_in_dim3A_916 : f32 to vector<16xf32>
      %swap3A_918 = arith.index_cast %scan3A_900 : i32 to index
      %swap3A_919 = arith.constant 48 : index
      %swap3A_920 = tpu.vector_load %arg10[%swap3A_918, %swap3A_919] {strides = array<i32>} : memref<80x128xf32, #tpu.memory_space<vmem>>, vector<16xf32>,
      tpu.vector_store %arg10[%swap3A_918, %swap3A_919], %broadcast_in_dim3A_917 {strides = array<i32>} : memref<80x128xf32, #tpu.memory_space<vmem>>, vector<16xf32>,
      %broadcast_in_dim3A_921 = arith.constant 0.000000e+00 : f32
      %broadcast_in_dim3A_922 = vector.broadcast %broadcast_in_dim3A_921 : f32 to vector<16xf32>
      %swap3A_923 = arith.index_cast %scan3A_900 : i32 to index
      %swap3A_924 = arith.constant 64 : index
      %swap3A_925 = tpu.vector_load %arg10[%swap3A_923, %swap3A_924] {strides = array<i32>} : memref<80x128xf32, #tpu.memory_space<vmem>>, vector<16xf32>,
      tpu.vector_store %arg10[%swap3A_923, %swap3A_924], %broadcast_in_dim3A_922 {strides = array<i32>} : memref<80x128xf32, #tpu.memory_space<vmem>>, vector<16xf32>,
      %broadcast_in_dim3A_926 = arith.constant 0.000000e+00 : f32
      %broadcast_in_dim3A_927 = vector.broadcast %broadcast_in_dim3A_926 : f32 to vector<16xf32>
      %swap3A_928 = arith.index_cast %scan3A_900 : i32 to index
      %swap3A_929 = arith.constant 80 : index
      %swap3A_930 = tpu.vector_load %arg10[%swap3A_928, %swap3A_929] {strides = array<i32>} : memref<80x128xf32, #tpu.memory_space<vmem>>, vector<16xf32>,
      tpu.vector_store %arg10[%swap3A_928, %swap3A_929], %broadcast_in_dim3A_927 {strides = array<i32>} : memref<80x128xf32, #tpu.memory_space<vmem>>, vector<16xf32>,
      %broadcast_in_dim3A_931 = arith.constant 0.000000e+00 : f32
      %broadcast_in_dim3A_932 = vector.broadcast %broadcast_in_dim3A_931 : f32 to vector<16xf32>
      %swap3A_933 = arith.index_cast %scan3A_900 : i32 to index
      %swap3A_934 = arith.constant 96 : index
      %swap3A_935 = tpu.vector_load %arg10[%swap3A_933, %swap3A_934] {strides = array<i32>} : memref<80x128xf32, #tpu.memory_space<vmem>>, vector<16xf32>,
      tpu.vector_store %arg10[%swap3A_933, %swap3A_934], %broadcast_in_dim3A_932 {strides = array<i32>} : memref<80x128xf32, #tpu.memory_space<vmem>>, vector<16xf32>,
      %broadcast_in_dim3A_936 = arith.constant 0.000000e+00 : f32
      %broadcast_in_dim3A_937 = vector.broadcast %broadcast_in_dim3A_936 : f32 to vector<16xf32>
      %swap3A_938 = arith.index_cast %scan3A_900 : i32 to index
      %swap3A_939 = arith.constant 112 : index
      %swap3A_940 = tpu.vector_load %arg10[%swap3A_938, %swap3A_939] {strides = array<i32>} : memref<80x128xf32, #tpu.memory_space<vmem>>, vector<16xf32>,
      tpu.vector_store %arg10[%swap3A_938, %swap3A_939], %broadcast_in_dim3A_937 {strides = array<i32>} : memref<80x128xf32, #tpu.memory_space<vmem>>, vector<16xf32>,
    }
    %scan3A_800 = arith.constant 80 : i32
    %lt3A = arith.constant 5 : i32
    %lt3A_801 = arith.cmpi slt, %arg1, %lt3A : i32
    %convert_element_type3A = arith.extui %lt3A_801 : i1 to i32
    %cond3A = arith.constant 0 : i32
    %cond3A_802 = arith.cmpi ne, %convert_element_type3A, %cond3A : i32
    scf.if %cond3A_802 {
      %mul3A_900 = arith.constant 16 : i32
      %mul3A_901 = arith.muli %arg1, %mul3A_900 : i32
      "tpu.region"() ({
        %run_scoped3A = tpu.sem_alloc : memref<!tpu.dma_semaphore, #tpu.memory_space<semaphore_mem>>
        %dma_start3A_902 = arith.constant 0 : i32
        %dma_start3A_903 = tpu.memref_slice %arg7[%mul3A_901, %dma_start3A_902] : memref<80x128xf32, #tpu.memory_space<vmem_shared>> -> memref<16x128xf32, #tpu.memory_space<vmem_shared>>
        %dma_start3A_904 = arith.constant 0 : i32
        %dma_start3A_905 = tpu.memref_slice %arg7[%mul3A_901, %dma_start3A_904] : memref<80x128xf32, #tpu.memory_space<vmem_shared>> -> memref<16x128xf32, #tpu.memory_space<vmem_shared>>
        tpu.enqueue_dma source(%arg11 : memref<16x128xf32, #tpu.memory_space<vmem>>) target(%dma_start3A_905 : memref<16x128xf32, #tpu.memory_space<vmem_shared>>) target_semaphore(%run_scoped3A : memref<!tpu.dma_semaphore, #tpu.memory_space<semaphore_mem>>)
        %dma_wait3A = arith.constant 0 : i32
        %dma_wait3A_906 = tpu.memref_slice %arg7[%mul3A_901, %dma_wait3A] : memref<80x128xf32, #tpu.memory_space<vmem_shared>> -> memref<16x128xf32, #tpu.memory_space<vmem_shared>>
        %dma_wait3A_907 = arith.constant 0 : i32
        %dma_wait3A_908 = tpu.memref_slice %arg7[%mul3A_901, %dma_wait3A_907] : memref<80x128xf32, #tpu.memory_space<vmem_shared>> -> memref<16x128xf32, #tpu.memory_space<vmem_shared>>
        tpu.wait_dma2 semaphore(%run_scoped3A : memref<!tpu.dma_semaphore, #tpu.memory_space<semaphore_mem>>) src(%arg11 : memref<16x128xf32, #tpu.memory_space<vmem>>) dst(%dma_wait3A_908 : memref<16x128xf32, #tpu.memory_space<vmem_shared>>)
        tpu.yield
      }) : () -> ()
    } else {
    }
    %mul3A_803 = arith.constant 640 : i32
    %mul3A_804 = arith.muli %arg1, %mul3A_803 : i32
    %scan3A_805 = arith.constant 0 : i32
    %scan3A_806 = arith.constant 0 : i32
    %scan3A_807 = arith.constant 40 : i32
    %scan3A_808 = arith.addi %scan3A_806, %scan3A_807 : i32
    %scan3A_809 = arith.constant 1 : i32
    scf.for %scan3A_900 = %scan3A_806 to %scan3A_808 step %scan3A_809  : i32 {
      %mul3A_901 = arith.constant 16 : i32
      %mul3A_902 = arith.muli %scan3A_900, %mul3A_901 : i32
      %add3A_903 = arith.addi %mul3A_804, %mul3A_902 : i32
      "tpu.region"() ({
        %run_scoped3A = tpu.sem_alloc : memref<!tpu.dma_semaphore, #tpu.memory_space<semaphore_mem>>
        %dma_start3A_904 = arith.constant 0 : i32
        %dma_start3A_905 = tpu.memref_slice %arg6[%add3A_903, %dma_start3A_904] : memref<10240x128xf32, #tpu.memory_space<vmem_shared>> -> memref<16x128xf32, #tpu.memory_space<vmem_shared>>
        %dma_start3A_906 = arith.constant 0 : i32
        %dma_start3A_907 = tpu.memref_slice %arg6[%add3A_903, %dma_start3A_906] : memref<10240x128xf32, #tpu.memory_space<vmem_shared>> -> memref<16x128xf32, #tpu.memory_space<vmem_shared>>
        tpu.enqueue_dma source(%arg11 : memref<16x128xf32, #tpu.memory_space<vmem>>) target(%dma_start3A_907 : memref<16x128xf32, #tpu.memory_space<vmem_shared>>) target_semaphore(%run_scoped3A : memref<!tpu.dma_semaphore, #tpu.memory_space<semaphore_mem>>)
        %dma_wait3A = arith.constant 0 : i32
        %dma_wait3A_908 = tpu.memref_slice %arg6[%add3A_903, %dma_wait3A] : memref<10240x128xf32, #tpu.memory_space<vmem_shared>> -> memref<16x128xf32, #tpu.memory_space<vmem_shared>>
        %dma_wait3A_909 = arith.constant 0 : i32
        %dma_wait3A_910 = tpu.memref_slice %arg6[%add3A_903, %dma_wait3A_909] : memref<10240x128xf32, #tpu.memory_space<vmem_shared>> -> memref<16x128xf32, #tpu.memory_space<vmem_shared>>
        tpu.wait_dma2 semaphore(%run_scoped3A : memref<!tpu.dma_semaphore, #tpu.memory_space<semaphore_mem>>) src(%arg11 : memref<16x128xf32, #tpu.memory_space<vmem>>) dst(%dma_wait3A_910 : memref<16x128xf32, #tpu.memory_space<vmem_shared>>)
        tpu.yield
      }) : () -> ()
    }
    %scan3A_810 = arith.constant 40 : i32
    %barrier3A = arith.constant 0 : index
    tpu.barrier barrier_id(%barrier3A)
    %sub3A = arith.constant 2500 : i32
    %sub3A_811 = arith.subi %sub3A, %add3A : i32
    %add3A_812 = arith.constant 32 : i32
    %add3A_813 = arith.addi %sub3A_811, %add3A_812 : i32
    %sub3A_814 = arith.constant 1 : i32
    %sub3A_815 = arith.subi %add3A_813, %sub3A_814 : i32
    %jit3A = arith.constant 32 : i32
    %div3A = arith.divsi %sub3A_815, %jit3A : i32
    %sign3A = arith.constant 0 : i32
    %sign3A_816 = arith.cmpi sgt, %sub3A_815, %sign3A : i32
    %sign3A_817 = arith.extui %sign3A_816 : i1 to i32
    %sign3A_818 = arith.constant 0 : i32
    %sign3A_819 = arith.cmpi slt, %sub3A_815, %sign3A_818 : i32
    %sign3A_820 = arith.extui %sign3A_819 : i1 to i32
    %sign3A_821 = arith.subi %sign3A_817, %sign3A_820 : i32
    %sign3A_822 = arith.constant 0 : i32
    %sign3A_823 = arith.cmpi sgt, %jit3A, %sign3A_822 : i32
    %sign3A_824 = arith.extui %sign3A_823 : i1 to i32
    %sign3A_825 = arith.constant 0 : i32
    %sign3A_826 = arith.cmpi slt, %jit3A, %sign3A_825 : i32
    %sign3A_827 = arith.extui %sign3A_826 : i1 to i32
    %sign3A_828 = arith.subi %sign3A_824, %sign3A_827 : i32
    %ne3A = arith.cmpi ne, %sign3A_821, %sign3A_828 : i32
    %rem3A = arith.remsi %sub3A_815, %jit3A : i32
    %ne3A_829 = arith.constant 0 : i32
    %ne3A_830 = arith.cmpi ne, %rem3A, %ne3A_829 : i32
    %and3A = arith.andi %ne3A, %ne3A_830 : i1
    %sub3A_831 = arith.constant 1 : i32
    %sub3A_832 = arith.subi %div3A, %sub3A_831 : i32
    %select_n3A = arith.select %and3A, %sub3A_832, %div3A : i32
    %add3A_833 = arith.constant 0 : i32
    %add3A_834 = arith.addi %add3A, %add3A_833 : i32
    %mul3A_835 = arith.constant 128 : i32
    %mul3A_836 = arith.muli %add3A_834, %mul3A_835 : i32
    %dma_start3A = arith.constant 0 : i32
    %dma_start3A_837 = arith.constant 0 : i32
    %dma_start3A_838 = arith.constant 0 : i32
    %dma_start3A_839 = tpu.memref_slice %arg8[%dma_start3A, %dma_start3A_837, %dma_start3A_838] : memref<2x128x128xf32, #tpu.memory_space<vmem>> -> memref<1x128x128xf32, #tpu.memory_space<vmem>>
    %dma_start3A_840 = tpu.memref_squeeze %dma_start3A_839 : memref<1x128x128xf32, #tpu.memory_space<vmem>> -> memref<128x128xf32, #tpu.memory_space<vmem>>
    %dma_start3A_841 = arith.constant 0 : i32
    %dma_start3A_842 = tpu.memref_slice %arg3[%mul3A_836, %dma_start3A_841] : memref<320000x128xf32, #tpu.memory_space<hbm>> -> memref<128x128xf32, #tpu.memory_space<hbm>>
    %dma_start3A_843 = arith.constant 0 : i32
    %dma_start3A_844 = arith.constant 0 : i32
    %dma_start3A_845 = tpu.memref_slice %arg8[%dma_start3A, %dma_start3A_843, %dma_start3A_844] : memref<2x128x128xf32, #tpu.memory_space<vmem>> -> memref<1x128x128xf32, #tpu.memory_space<vmem>>
    %dma_start3A_846 = tpu.memref_squeeze %dma_start3A_845 : memref<1x128x128xf32, #tpu.memory_space<vmem>> -> memref<128x128xf32, #tpu.memory_space<vmem>>
    %dma_start3A_847 = arith.constant 0 : i32
    %dma_start3A_848 = tpu.memref_slice %arg3[%mul3A_836, %dma_start3A_847] : memref<320000x128xf32, #tpu.memory_space<hbm>> -> memref<128x128xf32, #tpu.memory_space<hbm>>
    tpu.enqueue_dma source(%dma_start3A_848 : memref<128x128xf32, #tpu.memory_space<hbm>>) target(%dma_start3A_846 : memref<128x128xf32, #tpu.memory_space<vmem>>) target_semaphore(%arg13 : memref<!tpu.dma_semaphore, #tpu.memory_space<semaphore_mem>>)
    %dma_start3A_849 = arith.constant 0 : i32
    %dma_start3A_850 = arith.constant 0 : i32
    %dma_start3A_851 = tpu.memref_slice %arg9[%dma_start3A_849, %dma_start3A_850] : memref<2x128xi32, #tpu.memory_space<vmem>> -> memref<1x128xi32, #tpu.memory_space<vmem>>
    %dma_start3A_852 = tpu.memref_squeeze %dma_start3A_851 : memref<1x128xi32, #tpu.memory_space<vmem>> -> memref<128xi32, #tpu.memory_space<vmem>>
    %dma_start3A_853 = tpu.memref_slice %arg2[%mul3A_836] : memref<320000xi32, #tpu.memory_space<hbm>> -> memref<128xi32, #tpu.memory_space<hbm>>
    %dma_start3A_854 = arith.constant 0 : i32
    %dma_start3A_855 = tpu.memref_slice %arg9[%dma_start3A_849, %dma_start3A_854] : memref<2x128xi32, #tpu.memory_space<vmem>> -> memref<1x128xi32, #tpu.memory_space<vmem>>
    %dma_start3A_856 = tpu.memref_squeeze %dma_start3A_855 : memref<1x128xi32, #tpu.memory_space<vmem>> -> memref<128xi32, #tpu.memory_space<vmem>>
    %dma_start3A_857 = tpu.memref_slice %arg2[%mul3A_836] : memref<320000xi32, #tpu.memory_space<hbm>> -> memref<128xi32, #tpu.memory_space<hbm>>
    tpu.enqueue_dma source(%dma_start3A_857 : memref<128xi32, #tpu.memory_space<hbm>>) target(%dma_start3A_856 : memref<128xi32, #tpu.memory_space<vmem>>) target_semaphore(%arg15 : memref<!tpu.dma_semaphore, #tpu.memory_space<semaphore_mem>>)
    %add3A_858 = arith.constant 32 : i32
    %add3A_859 = arith.addi %add3A, %add3A_858 : i32
    %mul3A_860 = arith.constant 128 : i32
    %mul3A_861 = arith.muli %add3A_859, %mul3A_860 : i32
    %dma_start3A_862 = arith.constant 1 : i32
    %dma_start3A_863 = arith.constant 0 : i32
    %dma_start3A_864 = arith.constant 0 : i32
    %dma_start3A_865 = tpu.memref_slice %arg8[%dma_start3A_862, %dma_start3A_863, %dma_start3A_864] : memref<2x128x128xf32, #tpu.memory_space<vmem>> -> memref<1x128x128xf32, #tpu.memory_space<vmem>>
    %dma_start3A_866 = tpu.memref_squeeze %dma_start3A_865 : memref<1x128x128xf32, #tpu.memory_space<vmem>> -> memref<128x128xf32, #tpu.memory_space<vmem>>
    %dma_start3A_867 = arith.constant 0 : i32
    %dma_start3A_868 = tpu.memref_slice %arg3[%mul3A_861, %dma_start3A_867] : memref<320000x128xf32, #tpu.memory_space<hbm>> -> memref<128x128xf32, #tpu.memory_space<hbm>>
    %dma_start3A_869 = arith.constant 0 : i32
    %dma_start3A_870 = arith.constant 0 : i32
    %dma_start3A_871 = tpu.memref_slice %arg8[%dma_start3A_862, %dma_start3A_869, %dma_start3A_870] : memref<2x128x128xf32, #tpu.memory_space<vmem>> -> memref<1x128x128xf32, #tpu.memory_space<vmem>>
    %dma_start3A_872 = tpu.memref_squeeze %dma_start3A_871 : memref<1x128x128xf32, #tpu.memory_space<vmem>> -> memref<128x128xf32, #tpu.memory_space<vmem>>
    %dma_start3A_873 = arith.constant 0 : i32
    %dma_start3A_874 = tpu.memref_slice %arg3[%mul3A_861, %dma_start3A_873] : memref<320000x128xf32, #tpu.memory_space<hbm>> -> memref<128x128xf32, #tpu.memory_space<hbm>>
    tpu.enqueue_dma source(%dma_start3A_874 : memref<128x128xf32, #tpu.memory_space<hbm>>) target(%dma_start3A_872 : memref<128x128xf32, #tpu.memory_space<vmem>>) target_semaphore(%arg14 : memref<!tpu.dma_semaphore, #tpu.memory_space<semaphore_mem>>)
    %dma_start3A_875 = arith.constant 1 : i32
    %dma_start3A_876 = arith.constant 0 : i32
    %dma_start3A_877 = tpu.memref_slice %arg9[%dma_start3A_875, %dma_start3A_876] : memref<2x128xi32, #tpu.memory_space<vmem>> -> memref<1x128xi32, #tpu.memory_space<vmem>>
    %dma_start3A_878 = tpu.memref_squeeze %dma_start3A_877 : memref<1x128xi32, #tpu.memory_space<vmem>> -> memref<128xi32, #tpu.memory_space<vmem>>
    %dma_start3A_879 = tpu.memref_slice %arg2[%mul3A_861] : memref<320000xi32, #tpu.memory_space<hbm>> -> memref<128xi32, #tpu.memory_space<hbm>>
    %dma_start3A_880 = arith.constant 0 : i32
    %dma_start3A_881 = tpu.memref_slice %arg9[%dma_start3A_875, %dma_start3A_880] : memref<2x128xi32, #tpu.memory_space<vmem>> -> memref<1x128xi32, #tpu.memory_space<vmem>>
    %dma_start3A_882 = tpu.memref_squeeze %dma_start3A_881 : memref<1x128xi32, #tpu.memory_space<vmem>> -> memref<128xi32, #tpu.memory_space<vmem>>
    %dma_start3A_883 = tpu.memref_slice %arg2[%mul3A_861] : memref<320000xi32, #tpu.memory_space<hbm>> -> memref<128xi32, #tpu.memory_space<hbm>>
    tpu.enqueue_dma source(%dma_start3A_883 : memref<128xi32, #tpu.memory_space<hbm>>) target(%dma_start3A_882 : memref<128xi32, #tpu.memory_space<vmem>>) target_semaphore(%arg16 : memref<!tpu.dma_semaphore, #tpu.memory_space<semaphore_mem>>)
    %scan3A_884 = arith.constant 0 : i32
    %scan3A_885 = arith.constant 0 : i32
    %scan3A_886 = arith.constant 40 : i32
    %scan3A_887 = arith.addi %scan3A_885, %scan3A_886 : i32
    %scan3A_888 = arith.constant 1 : i32
    scf.for %scan3A_900 = %scan3A_885 to %scan3A_887 step %scan3A_888  : i32 {
      %mul3A_901 = arith.constant 2 : i32
      %mul3A_902 = arith.muli %mul3A_901, %scan3A_900 : i32
      %add3A_903 = arith.constant 0 : i32
      %add3A_904 = arith.addi %mul3A_902, %add3A_903 : i32
      %lt3A_905 = arith.cmpi slt, %add3A_904, %select_n3A : i32
      %convert_element_type3A_906 = arith.extui %lt3A_905 : i1 to i32
      %cond3A_907 = arith.constant 0 : i32
      %cond3A_908 = arith.cmpi ne, %convert_element_type3A_906, %cond3A_907 : i32
      scf.if %cond3A_908 {
        %mul3A_917 = arith.constant 32 : i32
        %mul3A_918 = arith.muli %mul3A_917, %add3A_904 : i32
        %add3A_919 = arith.addi %add3A, %mul3A_918 : i32
        %mul3A_920 = arith.constant 128 : i32
        %mul3A_921 = arith.muli %add3A_919, %mul3A_920 : i32
        %dma_wait3A = arith.constant 0 : i32
        %dma_wait3A_922 = arith.constant 0 : i32
        %dma_wait3A_923 = arith.constant 0 : i32
        %dma_wait3A_924 = tpu.memref_slice %arg8[%dma_wait3A, %dma_wait3A_922, %dma_wait3A_923] : memref<2x128x128xf32, #tpu.memory_space<vmem>> -> memref<1x128x128xf32, #tpu.memory_space<vmem>>
        %dma_wait3A_925 = tpu.memref_squeeze %dma_wait3A_924 : memref<1x128x128xf32, #tpu.memory_space<vmem>> -> memref<128x128xf32, #tpu.memory_space<vmem>>
        %dma_wait3A_926 = arith.constant 0 : i32
        %dma_wait3A_927 = tpu.memref_slice %arg3[%mul3A_921, %dma_wait3A_926] : memref<320000x128xf32, #tpu.memory_space<hbm>> -> memref<128x128xf32, #tpu.memory_space<hbm>>
        %dma_wait3A_928 = arith.constant 0 : i32
        %dma_wait3A_929 = arith.constant 0 : i32
        %dma_wait3A_930 = tpu.memref_slice %arg8[%dma_wait3A, %dma_wait3A_928, %dma_wait3A_929] : memref<2x128x128xf32, #tpu.memory_space<vmem>> -> memref<1x128x128xf32, #tpu.memory_space<vmem>>
        %dma_wait3A_931 = tpu.memref_squeeze %dma_wait3A_930 : memref<1x128x128xf32, #tpu.memory_space<vmem>> -> memref<128x128xf32, #tpu.memory_space<vmem>>
        %dma_wait3A_932 = arith.constant 0 : i32
        %dma_wait3A_933 = tpu.memref_slice %arg3[%mul3A_921, %dma_wait3A_932] : memref<320000x128xf32, #tpu.memory_space<hbm>> -> memref<128x128xf32, #tpu.memory_space<hbm>>
        tpu.wait_dma2 semaphore(%arg13 : memref<!tpu.dma_semaphore, #tpu.memory_space<semaphore_mem>>) src(%dma_wait3A_933 : memref<128x128xf32, #tpu.memory_space<hbm>>) dst(%dma_wait3A_931 : memref<128x128xf32, #tpu.memory_space<vmem>>)
        %dma_wait3A_934 = arith.constant 0 : i32
        %dma_wait3A_935 = arith.constant 0 : i32
        %dma_wait3A_936 = tpu.memref_slice %arg9[%dma_wait3A_934, %dma_wait3A_935] : memref<2x128xi32, #tpu.memory_space<vmem>> -> memref<1x128xi32, #tpu.memory_space<vmem>>
        %dma_wait3A_937 = tpu.memref_squeeze %dma_wait3A_936 : memref<1x128xi32, #tpu.memory_space<vmem>> -> memref<128xi32, #tpu.memory_space<vmem>>
        %dma_wait3A_938 = tpu.memref_slice %arg2[%mul3A_921] : memref<320000xi32, #tpu.memory_space<hbm>> -> memref<128xi32, #tpu.memory_space<hbm>>
        %dma_wait3A_939 = arith.constant 0 : i32
        %dma_wait3A_940 = tpu.memref_slice %arg9[%dma_wait3A_934, %dma_wait3A_939] : memref<2x128xi32, #tpu.memory_space<vmem>> -> memref<1x128xi32, #tpu.memory_space<vmem>>
        %dma_wait3A_941 = tpu.memref_squeeze %dma_wait3A_940 : memref<1x128xi32, #tpu.memory_space<vmem>> -> memref<128xi32, #tpu.memory_space<vmem>>
        %dma_wait3A_942 = tpu.memref_slice %arg2[%mul3A_921] : memref<320000xi32, #tpu.memory_space<hbm>> -> memref<128xi32, #tpu.memory_space<hbm>>
        tpu.wait_dma2 semaphore(%arg15 : memref<!tpu.dma_semaphore, #tpu.memory_space<semaphore_mem>>) src(%dma_wait3A_942 : memref<128xi32, #tpu.memory_space<hbm>>) dst(%dma_wait3A_941 : memref<128xi32, #tpu.memory_space<vmem>>)
        %dma_start3A_943 = arith.constant 0 : i32
        %dma_start3A_944 = arith.constant 0 : i32
        %dma_start3A_945 = arith.constant 0 : i32
        %dma_start3A_946 = arith.constant 0 : i32
        %dma_start3A_947 = tpu.memref_slice %arg8[%dma_start3A_943, %dma_start3A_945, %dma_start3A_946] : memref<2x128x128xf32, #tpu.memory_space<vmem>> -> memref<1x128x128xf32, #tpu.memory_space<vmem>>
        %dma_start3A_948 = tpu.memref_squeeze %dma_start3A_947 : memref<1x128x128xf32, #tpu.memory_space<vmem>> -> memref<128x128xf32, #tpu.memory_space<vmem>>
        %dma_start3A_949 = arith.constant 0 : i32
        %dma_start3A_950 = tpu.memref_slice %arg9[%dma_start3A_944, %dma_start3A_949] : memref<2x128xi32, #tpu.memory_space<vmem>> -> memref<1x128xi32, #tpu.memory_space<vmem>>
        %dma_start3A_951 = tpu.memref_squeeze %dma_start3A_950 : memref<1x128xi32, #tpu.memory_space<vmem>> -> memref<128xi32, #tpu.memory_space<vmem>>
        %dma_start3A_952 = arith.constant 0 : i32
        %dma_start3A_953 = arith.constant 0 : i32
        %dma_start3A_954 = tpu.memref_slice %arg6[%dma_start3A_952, %dma_start3A_953] : memref<10240x128xf32, #tpu.memory_space<vmem_shared>> -> memref<10240x128xf32, #tpu.memory_space<vmem_shared>>
        tpu.enqueue_indirect_dma source(%dma_start3A_948 : memref<128x128xf32, #tpu.memory_space<vmem>>) target(%dma_start3A_954 : memref<10240x128xf32, #tpu.memory_space<vmem_shared>>) offsets(%dma_start3A_951 : memref<128xi32, #tpu.memory_space<vmem>>) semaphore(%arg17 : memref<!tpu.dma_semaphore, #tpu.memory_space<semaphore_mem>>) {add = true}
        %get3A = arith.constant 0 : i32
        %get3A_955 = arith.index_cast %get3A : i32 to index
        %get3A_956 = arith.constant 0 : index
        %get3A_957 = tpu.vector_load %arg9[%get3A_955, %get3A_956] {strides = array<i32>} : memref<2x128xi32, #tpu.memory_space<vmem>>, vector<16xi32>,
        %shift_right_logical3A = arith.constant 7 : i32
        %shift_right_logical3A_958 = vector.broadcast %shift_right_logical3A : i32 to vector<16xi32>
        %shift_right_logical3A_959 = arith.shrui %get3A_957, %shift_right_logical3A_958 : vector<16xi32>
        %and3A_960 = arith.constant 127 : i32
        %and3A_961 = vector.broadcast %and3A_960 : i32 to vector<16xi32>
        %and3A_962 = arith.andi %get3A_957, %and3A_961 : vector<16xi32>
        %broadcast_in_dim3A_963 = arith.constant 1.000000e+00 : f32
        %broadcast_in_dim3A_964 = vector.broadcast %broadcast_in_dim3A_963 : f32 to vector<16xf32>
        tpu.vector_store_idx %arg10[%shift_right_logical3A_959, %and3A_962], %broadcast_in_dim3A_964 {add = true} : memref<80x128xf32, #tpu.memory_space<vmem>>[vector<16xi32>, vector<16xi32>], vector<16xf32>,
        %get3A_965 = arith.constant 0 : i32
        %get3A_966 = arith.index_cast %get3A_965 : i32 to index
        %get3A_967 = arith.constant 16 : index
        %get3A_968 = tpu.vector_load %arg9[%get3A_966, %get3A_967] {strides = array<i32>} : memref<2x128xi32, #tpu.memory_space<vmem>>, vector<16xi32>,
        %shift_right_logical3A_969 = arith.constant 7 : i32
        %shift_right_logical3A_970 = vector.broadcast %shift_right_logical3A_969 : i32 to vector<16xi32>
        %shift_right_logical3A_971 = arith.shrui %get3A_968, %shift_right_logical3A_970 : vector<16xi32>
        %and3A_972 = arith.constant 127 : i32
        %and3A_973 = vector.broadcast %and3A_972 : i32 to vector<16xi32>
        %and3A_974 = arith.andi %get3A_968, %and3A_973 : vector<16xi32>
        %broadcast_in_dim3A_975 = arith.constant 1.000000e+00 : f32
        %broadcast_in_dim3A_976 = vector.broadcast %broadcast_in_dim3A_975 : f32 to vector<16xf32>
        tpu.vector_store_idx %arg10[%shift_right_logical3A_971, %and3A_974], %broadcast_in_dim3A_976 {add = true} : memref<80x128xf32, #tpu.memory_space<vmem>>[vector<16xi32>, vector<16xi32>], vector<16xf32>,
        %get3A_977 = arith.constant 0 : i32
        %get3A_978 = arith.index_cast %get3A_977 : i32 to index
        %get3A_979 = arith.constant 32 : index
        %get3A_980 = tpu.vector_load %arg9[%get3A_978, %get3A_979] {strides = array<i32>} : memref<2x128xi32, #tpu.memory_space<vmem>>, vector<16xi32>,
        %shift_right_logical3A_981 = arith.constant 7 : i32
        %shift_right_logical3A_982 = vector.broadcast %shift_right_logical3A_981 : i32 to vector<16xi32>
        %shift_right_logical3A_983 = arith.shrui %get3A_980, %shift_right_logical3A_982 : vector<16xi32>
        %and3A_984 = arith.constant 127 : i32
        %and3A_985 = vector.broadcast %and3A_984 : i32 to vector<16xi32>
        %and3A_986 = arith.andi %get3A_980, %and3A_985 : vector<16xi32>
        %broadcast_in_dim3A_987 = arith.constant 1.000000e+00 : f32
        %broadcast_in_dim3A_988 = vector.broadcast %broadcast_in_dim3A_987 : f32 to vector<16xf32>
        tpu.vector_store_idx %arg10[%shift_right_logical3A_983, %and3A_986], %broadcast_in_dim3A_988 {add = true} : memref<80x128xf32, #tpu.memory_space<vmem>>[vector<16xi32>, vector<16xi32>], vector<16xf32>,
        %get3A_989 = arith.constant 0 : i32
        %get3A_990 = arith.index_cast %get3A_989 : i32 to index
        %get3A_991 = arith.constant 48 : index
        %get3A_992 = tpu.vector_load %arg9[%get3A_990, %get3A_991] {strides = array<i32>} : memref<2x128xi32, #tpu.memory_space<vmem>>, vector<16xi32>,
        %shift_right_logical3A_993 = arith.constant 7 : i32
        %shift_right_logical3A_994 = vector.broadcast %shift_right_logical3A_993 : i32 to vector<16xi32>
        %shift_right_logical3A_995 = arith.shrui %get3A_992, %shift_right_logical3A_994 : vector<16xi32>
        %and3A_996 = arith.constant 127 : i32
        %and3A_997 = vector.broadcast %and3A_996 : i32 to vector<16xi32>
        %and3A_998 = arith.andi %get3A_992, %and3A_997 : vector<16xi32>
        %broadcast_in_dim3A_999 = arith.constant 1.000000e+00 : f32
        %broadcast_in_dim3A_1000 = vector.broadcast %broadcast_in_dim3A_999 : f32 to vector<16xf32>
        tpu.vector_store_idx %arg10[%shift_right_logical3A_995, %and3A_998], %broadcast_in_dim3A_1000 {add = true} : memref<80x128xf32, #tpu.memory_space<vmem>>[vector<16xi32>, vector<16xi32>], vector<16xf32>,
        %get3A_1001 = arith.constant 0 : i32
        %get3A_1002 = arith.index_cast %get3A_1001 : i32 to index
        %get3A_1003 = arith.constant 64 : index
        %get3A_1004 = tpu.vector_load %arg9[%get3A_1002, %get3A_1003] {strides = array<i32>} : memref<2x128xi32, #tpu.memory_space<vmem>>, vector<16xi32>,
        %shift_right_logical3A_1005 = arith.constant 7 : i32
        %shift_right_logical3A_1006 = vector.broadcast %shift_right_logical3A_1005 : i32 to vector<16xi32>
        %shift_right_logical3A_1007 = arith.shrui %get3A_1004, %shift_right_logical3A_1006 : vector<16xi32>
        %and3A_1008 = arith.constant 127 : i32
        %and3A_1009 = vector.broadcast %and3A_1008 : i32 to vector<16xi32>
        %and3A_1010 = arith.andi %get3A_1004, %and3A_1009 : vector<16xi32>
        %broadcast_in_dim3A_1011 = arith.constant 1.000000e+00 : f32
        %broadcast_in_dim3A_1012 = vector.broadcast %broadcast_in_dim3A_1011 : f32 to vector<16xf32>
        tpu.vector_store_idx %arg10[%shift_right_logical3A_1007, %and3A_1010], %broadcast_in_dim3A_1012 {add = true} : memref<80x128xf32, #tpu.memory_space<vmem>>[vector<16xi32>, vector<16xi32>], vector<16xf32>,
        %get3A_1013 = arith.constant 0 : i32
        %get3A_1014 = arith.index_cast %get3A_1013 : i32 to index
        %get3A_1015 = arith.constant 80 : index
        %get3A_1016 = tpu.vector_load %arg9[%get3A_1014, %get3A_1015] {strides = array<i32>} : memref<2x128xi32, #tpu.memory_space<vmem>>, vector<16xi32>,
        %shift_right_logical3A_1017 = arith.constant 7 : i32
        %shift_right_logical3A_1018 = vector.broadcast %shift_right_logical3A_1017 : i32 to vector<16xi32>
        %shift_right_logical3A_1019 = arith.shrui %get3A_1016, %shift_right_logical3A_1018 : vector<16xi32>
        %and3A_1020 = arith.constant 127 : i32
        %and3A_1021 = vector.broadcast %and3A_1020 : i32 to vector<16xi32>
        %and3A_1022 = arith.andi %get3A_1016, %and3A_1021 : vector<16xi32>
        %broadcast_in_dim3A_1023 = arith.constant 1.000000e+00 : f32
        %broadcast_in_dim3A_1024 = vector.broadcast %broadcast_in_dim3A_1023 : f32 to vector<16xf32>
        tpu.vector_store_idx %arg10[%shift_right_logical3A_1019, %and3A_1022], %broadcast_in_dim3A_1024 {add = true} : memref<80x128xf32, #tpu.memory_space<vmem>>[vector<16xi32>, vector<16xi32>], vector<16xf32>,
        %get3A_1025 = arith.constant 0 : i32
        %get3A_1026 = arith.index_cast %get3A_1025 : i32 to index
        %get3A_1027 = arith.constant 96 : index
        %get3A_1028 = tpu.vector_load %arg9[%get3A_1026, %get3A_1027] {strides = array<i32>} : memref<2x128xi32, #tpu.memory_space<vmem>>, vector<16xi32>,
        %shift_right_logical3A_1029 = arith.constant 7 : i32
        %shift_right_logical3A_1030 = vector.broadcast %shift_right_logical3A_1029 : i32 to vector<16xi32>
        %shift_right_logical3A_1031 = arith.shrui %get3A_1028, %shift_right_logical3A_1030 : vector<16xi32>
        %and3A_1032 = arith.constant 127 : i32
        %and3A_1033 = vector.broadcast %and3A_1032 : i32 to vector<16xi32>
        %and3A_1034 = arith.andi %get3A_1028, %and3A_1033 : vector<16xi32>
        %broadcast_in_dim3A_1035 = arith.constant 1.000000e+00 : f32
        %broadcast_in_dim3A_1036 = vector.broadcast %broadcast_in_dim3A_1035 : f32 to vector<16xf32>
        tpu.vector_store_idx %arg10[%shift_right_logical3A_1031, %and3A_1034], %broadcast_in_dim3A_1036 {add = true} : memref<80x128xf32, #tpu.memory_space<vmem>>[vector<16xi32>, vector<16xi32>], vector<16xf32>,
        %get3A_1037 = arith.constant 0 : i32
        %get3A_1038 = arith.index_cast %get3A_1037 : i32 to index
        %get3A_1039 = arith.constant 112 : index
        %get3A_1040 = tpu.vector_load %arg9[%get3A_1038, %get3A_1039] {strides = array<i32>} : memref<2x128xi32, #tpu.memory_space<vmem>>, vector<16xi32>,
        %shift_right_logical3A_1041 = arith.constant 7 : i32
        %shift_right_logical3A_1042 = vector.broadcast %shift_right_logical3A_1041 : i32 to vector<16xi32>
        %shift_right_logical3A_1043 = arith.shrui %get3A_1040, %shift_right_logical3A_1042 : vector<16xi32>
        %and3A_1044 = arith.constant 127 : i32
        %and3A_1045 = vector.broadcast %and3A_1044 : i32 to vector<16xi32>
        %and3A_1046 = arith.andi %get3A_1040, %and3A_1045 : vector<16xi32>
        %broadcast_in_dim3A_1047 = arith.constant 1.000000e+00 : f32
        %broadcast_in_dim3A_1048 = vector.broadcast %broadcast_in_dim3A_1047 : f32 to vector<16xf32>
        tpu.vector_store_idx %arg10[%shift_right_logical3A_1043, %and3A_1046], %broadcast_in_dim3A_1048 {add = true} : memref<80x128xf32, #tpu.memory_space<vmem>>[vector<16xi32>, vector<16xi32>], vector<16xf32>,
        %dma_wait3A_1049 = arith.constant 0 : i32
        %dma_wait3A_1050 = arith.constant 0 : i32
        %dma_wait3A_1051 = arith.constant 0 : i32
        %dma_wait3A_1052 = arith.constant 0 : i32
        %dma_wait3A_1053 = tpu.memref_slice %arg8[%dma_wait3A_1049, %dma_wait3A_1051, %dma_wait3A_1052] : memref<2x128x128xf32, #tpu.memory_space<vmem>> -> memref<1x128x128xf32, #tpu.memory_space<vmem>>
        %dma_wait3A_1054 = tpu.memref_squeeze %dma_wait3A_1053 : memref<1x128x128xf32, #tpu.memory_space<vmem>> -> memref<128x128xf32, #tpu.memory_space<vmem>>
        %dma_wait3A_1055 = arith.constant 0 : i32
        %dma_wait3A_1056 = tpu.memref_slice %arg9[%dma_wait3A_1050, %dma_wait3A_1055] : memref<2x128xi32, #tpu.memory_space<vmem>> -> memref<1x128xi32, #tpu.memory_space<vmem>>
        %dma_wait3A_1057 = tpu.memref_squeeze %dma_wait3A_1056 : memref<1x128xi32, #tpu.memory_space<vmem>> -> memref<128xi32, #tpu.memory_space<vmem>>
        %dma_wait3A_1058 = arith.constant 0 : i32
        %dma_wait3A_1059 = arith.constant 0 : i32
        %dma_wait3A_1060 = tpu.memref_slice %arg6[%dma_wait3A_1058, %dma_wait3A_1059] : memref<10240x128xf32, #tpu.memory_space<vmem_shared>> -> memref<10240x128xf32, #tpu.memory_space<vmem_shared>>
        tpu.wait_indirect_dma semaphore(%arg17 : memref<!tpu.dma_semaphore, #tpu.memory_space<semaphore_mem>>) src(%dma_wait3A_1054 : memref<128x128xf32, #tpu.memory_space<vmem>>) dst(%dma_wait3A_1060 : memref<10240x128xf32, #tpu.memory_space<vmem_shared>>)
        %add3A_1061 = arith.constant 2 : i32
        %add3A_1062 = arith.addi %add3A_904, %add3A_1061 : i32
        %lt3A_1063 = arith.cmpi slt, %add3A_1062, %select_n3A : i32
        %convert_element_type3A_1064 = arith.extui %lt3A_1063 : i1 to i32
        %cond3A_1065 = arith.constant 0 : i32
        %cond3A_1066 = arith.cmpi ne, %convert_element_type3A_1064, %cond3A_1065 : i32
        scf.if %cond3A_1066 {
          %add3A_1067 = arith.constant 2 : i32
          %add3A_1068 = arith.addi %add3A_904, %add3A_1067 : i32
          %mul3A_1069 = arith.constant 32 : i32
          %mul3A_1070 = arith.muli %mul3A_1069, %add3A_1068 : i32
          %add3A_1071 = arith.addi %add3A, %mul3A_1070 : i32
          %mul3A_1072 = arith.constant 128 : i32
          %mul3A_1073 = arith.muli %add3A_1071, %mul3A_1072 : i32
          %dma_start3A_1074 = arith.constant 0 : i32
          %dma_start3A_1075 = arith.constant 0 : i32
          %dma_start3A_1076 = arith.constant 0 : i32
          %dma_start3A_1077 = tpu.memref_slice %arg8[%dma_start3A_1074, %dma_start3A_1075, %dma_start3A_1076] : memref<2x128x128xf32, #tpu.memory_space<vmem>> -> memref<1x128x128xf32, #tpu.memory_space<vmem>>
          %dma_start3A_1078 = tpu.memref_squeeze %dma_start3A_1077 : memref<1x128x128xf32, #tpu.memory_space<vmem>> -> memref<128x128xf32, #tpu.memory_space<vmem>>
          %dma_start3A_1079 = arith.constant 0 : i32
          %dma_start3A_1080 = tpu.memref_slice %arg3[%mul3A_1073, %dma_start3A_1079] : memref<320000x128xf32, #tpu.memory_space<hbm>> -> memref<128x128xf32, #tpu.memory_space<hbm>>
          %dma_start3A_1081 = arith.constant 0 : i32
          %dma_start3A_1082 = arith.constant 0 : i32
          %dma_start3A_1083 = tpu.memref_slice %arg8[%dma_start3A_1074, %dma_start3A_1081, %dma_start3A_1082] : memref<2x128x128xf32, #tpu.memory_space<vmem>> -> memref<1x128x128xf32, #tpu.memory_space<vmem>>
          %dma_start3A_1084 = tpu.memref_squeeze %dma_start3A_1083 : memref<1x128x128xf32, #tpu.memory_space<vmem>> -> memref<128x128xf32, #tpu.memory_space<vmem>>
          %dma_start3A_1085 = arith.constant 0 : i32
          %dma_start3A_1086 = tpu.memref_slice %arg3[%mul3A_1073, %dma_start3A_1085] : memref<320000x128xf32, #tpu.memory_space<hbm>> -> memref<128x128xf32, #tpu.memory_space<hbm>>
          tpu.enqueue_dma source(%dma_start3A_1086 : memref<128x128xf32, #tpu.memory_space<hbm>>) target(%dma_start3A_1084 : memref<128x128xf32, #tpu.memory_space<vmem>>) target_semaphore(%arg13 : memref<!tpu.dma_semaphore, #tpu.memory_space<semaphore_mem>>)
          %dma_start3A_1087 = arith.constant 0 : i32
          %dma_start3A_1088 = arith.constant 0 : i32
          %dma_start3A_1089 = tpu.memref_slice %arg9[%dma_start3A_1087, %dma_start3A_1088] : memref<2x128xi32, #tpu.memory_space<vmem>> -> memref<1x128xi32, #tpu.memory_space<vmem>>
          %dma_start3A_1090 = tpu.memref_squeeze %dma_start3A_1089 : memref<1x128xi32, #tpu.memory_space<vmem>> -> memref<128xi32, #tpu.memory_space<vmem>>
          %dma_start3A_1091 = tpu.memref_slice %arg2[%mul3A_1073] : memref<320000xi32, #tpu.memory_space<hbm>> -> memref<128xi32, #tpu.memory_space<hbm>>
          %dma_start3A_1092 = arith.constant 0 : i32
          %dma_start3A_1093 = tpu.memref_slice %arg9[%dma_start3A_1087, %dma_start3A_1092] : memref<2x128xi32, #tpu.memory_space<vmem>> -> memref<1x128xi32, #tpu.memory_space<vmem>>
          %dma_start3A_1094 = tpu.memref_squeeze %dma_start3A_1093 : memref<1x128xi32, #tpu.memory_space<vmem>> -> memref<128xi32, #tpu.memory_space<vmem>>
          %dma_start3A_1095 = tpu.memref_slice %arg2[%mul3A_1073] : memref<320000xi32, #tpu.memory_space<hbm>> -> memref<128xi32, #tpu.memory_space<hbm>>
          tpu.enqueue_dma source(%dma_start3A_1095 : memref<128xi32, #tpu.memory_space<hbm>>) target(%dma_start3A_1094 : memref<128xi32, #tpu.memory_space<vmem>>) target_semaphore(%arg15 : memref<!tpu.dma_semaphore, #tpu.memory_space<semaphore_mem>>)
        } else {
        }
      } else {
      }
      %mul3A_909 = arith.constant 2 : i32
      %mul3A_910 = arith.muli %mul3A_909, %scan3A_900 : i32
      %add3A_911 = arith.constant 1 : i32
      %add3A_912 = arith.addi %mul3A_910, %add3A_911 : i32
      %lt3A_913 = arith.cmpi slt, %add3A_912, %select_n3A : i32
      %convert_element_type3A_914 = arith.extui %lt3A_913 : i1 to i32
      %cond3A_915 = arith.constant 0 : i32
      %cond3A_916 = arith.cmpi ne, %convert_element_type3A_914, %cond3A_915 : i32
      scf.if %cond3A_916 {
        %mul3A_917 = arith.constant 32 : i32
        %mul3A_918 = arith.muli %mul3A_917, %add3A_912 : i32
        %add3A_919 = arith.addi %add3A, %mul3A_918 : i32
        %mul3A_920 = arith.constant 128 : i32
        %mul3A_921 = arith.muli %add3A_919, %mul3A_920 : i32
        %dma_wait3A = arith.constant 1 : i32
        %dma_wait3A_922 = arith.constant 0 : i32
        %dma_wait3A_923 = arith.constant 0 : i32
        %dma_wait3A_924 = tpu.memref_slice %arg8[%dma_wait3A, %dma_wait3A_922, %dma_wait3A_923] : memref<2x128x128xf32, #tpu.memory_space<vmem>> -> memref<1x128x128xf32, #tpu.memory_space<vmem>>
        %dma_wait3A_925 = tpu.memref_squeeze %dma_wait3A_924 : memref<1x128x128xf32, #tpu.memory_space<vmem>> -> memref<128x128xf32, #tpu.memory_space<vmem>>
        %dma_wait3A_926 = arith.constant 0 : i32
        %dma_wait3A_927 = tpu.memref_slice %arg3[%mul3A_921, %dma_wait3A_926] : memref<320000x128xf32, #tpu.memory_space<hbm>> -> memref<128x128xf32, #tpu.memory_space<hbm>>
        %dma_wait3A_928 = arith.constant 0 : i32
        %dma_wait3A_929 = arith.constant 0 : i32
        %dma_wait3A_930 = tpu.memref_slice %arg8[%dma_wait3A, %dma_wait3A_928, %dma_wait3A_929] : memref<2x128x128xf32, #tpu.memory_space<vmem>> -> memref<1x128x128xf32, #tpu.memory_space<vmem>>
        %dma_wait3A_931 = tpu.memref_squeeze %dma_wait3A_930 : memref<1x128x128xf32, #tpu.memory_space<vmem>> -> memref<128x128xf32, #tpu.memory_space<vmem>>
        %dma_wait3A_932 = arith.constant 0 : i32
        %dma_wait3A_933 = tpu.memref_slice %arg3[%mul3A_921, %dma_wait3A_932] : memref<320000x128xf32, #tpu.memory_space<hbm>> -> memref<128x128xf32, #tpu.memory_space<hbm>>
        tpu.wait_dma2 semaphore(%arg14 : memref<!tpu.dma_semaphore, #tpu.memory_space<semaphore_mem>>) src(%dma_wait3A_933 : memref<128x128xf32, #tpu.memory_space<hbm>>) dst(%dma_wait3A_931 : memref<128x128xf32, #tpu.memory_space<vmem>>)
        %dma_wait3A_934 = arith.constant 1 : i32
        %dma_wait3A_935 = arith.constant 0 : i32
        %dma_wait3A_936 = tpu.memref_slice %arg9[%dma_wait3A_934, %dma_wait3A_935] : memref<2x128xi32, #tpu.memory_space<vmem>> -> memref<1x128xi32, #tpu.memory_space<vmem>>
        %dma_wait3A_937 = tpu.memref_squeeze %dma_wait3A_936 : memref<1x128xi32, #tpu.memory_space<vmem>> -> memref<128xi32, #tpu.memory_space<vmem>>
        %dma_wait3A_938 = tpu.memref_slice %arg2[%mul3A_921] : memref<320000xi32, #tpu.memory_space<hbm>> -> memref<128xi32, #tpu.memory_space<hbm>>
        %dma_wait3A_939 = arith.constant 0 : i32
        %dma_wait3A_940 = tpu.memref_slice %arg9[%dma_wait3A_934, %dma_wait3A_939] : memref<2x128xi32, #tpu.memory_space<vmem>> -> memref<1x128xi32, #tpu.memory_space<vmem>>
        %dma_wait3A_941 = tpu.memref_squeeze %dma_wait3A_940 : memref<1x128xi32, #tpu.memory_space<vmem>> -> memref<128xi32, #tpu.memory_space<vmem>>
        %dma_wait3A_942 = tpu.memref_slice %arg2[%mul3A_921] : memref<320000xi32, #tpu.memory_space<hbm>> -> memref<128xi32, #tpu.memory_space<hbm>>
        tpu.wait_dma2 semaphore(%arg16 : memref<!tpu.dma_semaphore, #tpu.memory_space<semaphore_mem>>) src(%dma_wait3A_942 : memref<128xi32, #tpu.memory_space<hbm>>) dst(%dma_wait3A_941 : memref<128xi32, #tpu.memory_space<vmem>>)
        %dma_start3A_943 = arith.constant 1 : i32
        %dma_start3A_944 = arith.constant 1 : i32
        %dma_start3A_945 = arith.constant 0 : i32
        %dma_start3A_946 = arith.constant 0 : i32
        %dma_start3A_947 = tpu.memref_slice %arg8[%dma_start3A_943, %dma_start3A_945, %dma_start3A_946] : memref<2x128x128xf32, #tpu.memory_space<vmem>> -> memref<1x128x128xf32, #tpu.memory_space<vmem>>
        %dma_start3A_948 = tpu.memref_squeeze %dma_start3A_947 : memref<1x128x128xf32, #tpu.memory_space<vmem>> -> memref<128x128xf32, #tpu.memory_space<vmem>>
        %dma_start3A_949 = arith.constant 0 : i32
        %dma_start3A_950 = tpu.memref_slice %arg9[%dma_start3A_944, %dma_start3A_949] : memref<2x128xi32, #tpu.memory_space<vmem>> -> memref<1x128xi32, #tpu.memory_space<vmem>>
        %dma_start3A_951 = tpu.memref_squeeze %dma_start3A_950 : memref<1x128xi32, #tpu.memory_space<vmem>> -> memref<128xi32, #tpu.memory_space<vmem>>
        %dma_start3A_952 = arith.constant 0 : i32
        %dma_start3A_953 = arith.constant 0 : i32
        %dma_start3A_954 = tpu.memref_slice %arg6[%dma_start3A_952, %dma_start3A_953] : memref<10240x128xf32, #tpu.memory_space<vmem_shared>> -> memref<10240x128xf32, #tpu.memory_space<vmem_shared>>
        tpu.enqueue_indirect_dma source(%dma_start3A_948 : memref<128x128xf32, #tpu.memory_space<vmem>>) target(%dma_start3A_954 : memref<10240x128xf32, #tpu.memory_space<vmem_shared>>) offsets(%dma_start3A_951 : memref<128xi32, #tpu.memory_space<vmem>>) semaphore(%arg17 : memref<!tpu.dma_semaphore, #tpu.memory_space<semaphore_mem>>) {add = true}
        %get3A = arith.constant 1 : i32
        %get3A_955 = arith.index_cast %get3A : i32 to index
        %get3A_956 = arith.constant 0 : index
        %get3A_957 = tpu.vector_load %arg9[%get3A_955, %get3A_956] {strides = array<i32>} : memref<2x128xi32, #tpu.memory_space<vmem>>, vector<16xi32>,
        %shift_right_logical3A = arith.constant 7 : i32
        %shift_right_logical3A_958 = vector.broadcast %shift_right_logical3A : i32 to vector<16xi32>
        %shift_right_logical3A_959 = arith.shrui %get3A_957, %shift_right_logical3A_958 : vector<16xi32>
        %and3A_960 = arith.constant 127 : i32
        %and3A_961 = vector.broadcast %and3A_960 : i32 to vector<16xi32>
        %and3A_962 = arith.andi %get3A_957, %and3A_961 : vector<16xi32>
        %broadcast_in_dim3A_963 = arith.constant 1.000000e+00 : f32
        %broadcast_in_dim3A_964 = vector.broadcast %broadcast_in_dim3A_963 : f32 to vector<16xf32>
        tpu.vector_store_idx %arg10[%shift_right_logical3A_959, %and3A_962], %broadcast_in_dim3A_964 {add = true} : memref<80x128xf32, #tpu.memory_space<vmem>>[vector<16xi32>, vector<16xi32>], vector<16xf32>,
        %get3A_965 = arith.constant 1 : i32
        %get3A_966 = arith.index_cast %get3A_965 : i32 to index
        %get3A_967 = arith.constant 16 : index
        %get3A_968 = tpu.vector_load %arg9[%get3A_966, %get3A_967] {strides = array<i32>} : memref<2x128xi32, #tpu.memory_space<vmem>>, vector<16xi32>,
        %shift_right_logical3A_969 = arith.constant 7 : i32
        %shift_right_logical3A_970 = vector.broadcast %shift_right_logical3A_969 : i32 to vector<16xi32>
        %shift_right_logical3A_971 = arith.shrui %get3A_968, %shift_right_logical3A_970 : vector<16xi32>
        %and3A_972 = arith.constant 127 : i32
        %and3A_973 = vector.broadcast %and3A_972 : i32 to vector<16xi32>
        %and3A_974 = arith.andi %get3A_968, %and3A_973 : vector<16xi32>
        %broadcast_in_dim3A_975 = arith.constant 1.000000e+00 : f32
        %broadcast_in_dim3A_976 = vector.broadcast %broadcast_in_dim3A_975 : f32 to vector<16xf32>
        tpu.vector_store_idx %arg10[%shift_right_logical3A_971, %and3A_974], %broadcast_in_dim3A_976 {add = true} : memref<80x128xf32, #tpu.memory_space<vmem>>[vector<16xi32>, vector<16xi32>], vector<16xf32>,
        %get3A_977 = arith.constant 1 : i32
        %get3A_978 = arith.index_cast %get3A_977 : i32 to index
        %get3A_979 = arith.constant 32 : index
        %get3A_980 = tpu.vector_load %arg9[%get3A_978, %get3A_979] {strides = array<i32>} : memref<2x128xi32, #tpu.memory_space<vmem>>, vector<16xi32>,
        %shift_right_logical3A_981 = arith.constant 7 : i32
        %shift_right_logical3A_982 = vector.broadcast %shift_right_logical3A_981 : i32 to vector<16xi32>
        %shift_right_logical3A_983 = arith.shrui %get3A_980, %shift_right_logical3A_982 : vector<16xi32>
        %and3A_984 = arith.constant 127 : i32
        %and3A_985 = vector.broadcast %and3A_984 : i32 to vector<16xi32>
        %and3A_986 = arith.andi %get3A_980, %and3A_985 : vector<16xi32>
        %broadcast_in_dim3A_987 = arith.constant 1.000000e+00 : f32
        %broadcast_in_dim3A_988 = vector.broadcast %broadcast_in_dim3A_987 : f32 to vector<16xf32>
        tpu.vector_store_idx %arg10[%shift_right_logical3A_983, %and3A_986], %broadcast_in_dim3A_988 {add = true} : memref<80x128xf32, #tpu.memory_space<vmem>>[vector<16xi32>, vector<16xi32>], vector<16xf32>,
        %get3A_989 = arith.constant 1 : i32
        %get3A_990 = arith.index_cast %get3A_989 : i32 to index
        %get3A_991 = arith.constant 48 : index
        %get3A_992 = tpu.vector_load %arg9[%get3A_990, %get3A_991] {strides = array<i32>} : memref<2x128xi32, #tpu.memory_space<vmem>>, vector<16xi32>,
        %shift_right_logical3A_993 = arith.constant 7 : i32
        %shift_right_logical3A_994 = vector.broadcast %shift_right_logical3A_993 : i32 to vector<16xi32>
        %shift_right_logical3A_995 = arith.shrui %get3A_992, %shift_right_logical3A_994 : vector<16xi32>
        %and3A_996 = arith.constant 127 : i32
        %and3A_997 = vector.broadcast %and3A_996 : i32 to vector<16xi32>
        %and3A_998 = arith.andi %get3A_992, %and3A_997 : vector<16xi32>
        %broadcast_in_dim3A_999 = arith.constant 1.000000e+00 : f32
        %broadcast_in_dim3A_1000 = vector.broadcast %broadcast_in_dim3A_999 : f32 to vector<16xf32>
        tpu.vector_store_idx %arg10[%shift_right_logical3A_995, %and3A_998], %broadcast_in_dim3A_1000 {add = true} : memref<80x128xf32, #tpu.memory_space<vmem>>[vector<16xi32>, vector<16xi32>], vector<16xf32>,
        %get3A_1001 = arith.constant 1 : i32
        %get3A_1002 = arith.index_cast %get3A_1001 : i32 to index
        %get3A_1003 = arith.constant 64 : index
        %get3A_1004 = tpu.vector_load %arg9[%get3A_1002, %get3A_1003] {strides = array<i32>} : memref<2x128xi32, #tpu.memory_space<vmem>>, vector<16xi32>,
        %shift_right_logical3A_1005 = arith.constant 7 : i32
        %shift_right_logical3A_1006 = vector.broadcast %shift_right_logical3A_1005 : i32 to vector<16xi32>
        %shift_right_logical3A_1007 = arith.shrui %get3A_1004, %shift_right_logical3A_1006 : vector<16xi32>
        %and3A_1008 = arith.constant 127 : i32
        %and3A_1009 = vector.broadcast %and3A_1008 : i32 to vector<16xi32>
        %and3A_1010 = arith.andi %get3A_1004, %and3A_1009 : vector<16xi32>
        %broadcast_in_dim3A_1011 = arith.constant 1.000000e+00 : f32
        %broadcast_in_dim3A_1012 = vector.broadcast %broadcast_in_dim3A_1011 : f32 to vector<16xf32>
        tpu.vector_store_idx %arg10[%shift_right_logical3A_1007, %and3A_1010], %broadcast_in_dim3A_1012 {add = true} : memref<80x128xf32, #tpu.memory_space<vmem>>[vector<16xi32>, vector<16xi32>], vector<16xf32>,
        %get3A_1013 = arith.constant 1 : i32
        %get3A_1014 = arith.index_cast %get3A_1013 : i32 to index
        %get3A_1015 = arith.constant 80 : index
        %get3A_1016 = tpu.vector_load %arg9[%get3A_1014, %get3A_1015] {strides = array<i32>} : memref<2x128xi32, #tpu.memory_space<vmem>>, vector<16xi32>,
        %shift_right_logical3A_1017 = arith.constant 7 : i32
        %shift_right_logical3A_1018 = vector.broadcast %shift_right_logical3A_1017 : i32 to vector<16xi32>
        %shift_right_logical3A_1019 = arith.shrui %get3A_1016, %shift_right_logical3A_1018 : vector<16xi32>
        %and3A_1020 = arith.constant 127 : i32
        %and3A_1021 = vector.broadcast %and3A_1020 : i32 to vector<16xi32>
        %and3A_1022 = arith.andi %get3A_1016, %and3A_1021 : vector<16xi32>
        %broadcast_in_dim3A_1023 = arith.constant 1.000000e+00 : f32
        %broadcast_in_dim3A_1024 = vector.broadcast %broadcast_in_dim3A_1023 : f32 to vector<16xf32>
        tpu.vector_store_idx %arg10[%shift_right_logical3A_1019, %and3A_1022], %broadcast_in_dim3A_1024 {add = true} : memref<80x128xf32, #tpu.memory_space<vmem>>[vector<16xi32>, vector<16xi32>], vector<16xf32>,
        %get3A_1025 = arith.constant 1 : i32
        %get3A_1026 = arith.index_cast %get3A_1025 : i32 to index
        %get3A_1027 = arith.constant 96 : index
        %get3A_1028 = tpu.vector_load %arg9[%get3A_1026, %get3A_1027] {strides = array<i32>} : memref<2x128xi32, #tpu.memory_space<vmem>>, vector<16xi32>,
        %shift_right_logical3A_1029 = arith.constant 7 : i32
        %shift_right_logical3A_1030 = vector.broadcast %shift_right_logical3A_1029 : i32 to vector<16xi32>
        %shift_right_logical3A_1031 = arith.shrui %get3A_1028, %shift_right_logical3A_1030 : vector<16xi32>
        %and3A_1032 = arith.constant 127 : i32
        %and3A_1033 = vector.broadcast %and3A_1032 : i32 to vector<16xi32>
        %and3A_1034 = arith.andi %get3A_1028, %and3A_1033 : vector<16xi32>
        %broadcast_in_dim3A_1035 = arith.constant 1.000000e+00 : f32
        %broadcast_in_dim3A_1036 = vector.broadcast %broadcast_in_dim3A_1035 : f32 to vector<16xf32>
        tpu.vector_store_idx %arg10[%shift_right_logical3A_1031, %and3A_1034], %broadcast_in_dim3A_1036 {add = true} : memref<80x128xf32, #tpu.memory_space<vmem>>[vector<16xi32>, vector<16xi32>], vector<16xf32>,
        %get3A_1037 = arith.constant 1 : i32
        %get3A_1038 = arith.index_cast %get3A_1037 : i32 to index
        %get3A_1039 = arith.constant 112 : index
        %get3A_1040 = tpu.vector_load %arg9[%get3A_1038, %get3A_1039] {strides = array<i32>} : memref<2x128xi32, #tpu.memory_space<vmem>>, vector<16xi32>,
        %shift_right_logical3A_1041 = arith.constant 7 : i32
        %shift_right_logical3A_1042 = vector.broadcast %shift_right_logical3A_1041 : i32 to vector<16xi32>
        %shift_right_logical3A_1043 = arith.shrui %get3A_1040, %shift_right_logical3A_1042 : vector<16xi32>
        %and3A_1044 = arith.constant 127 : i32
        %and3A_1045 = vector.broadcast %and3A_1044 : i32 to vector<16xi32>
        %and3A_1046 = arith.andi %get3A_1040, %and3A_1045 : vector<16xi32>
        %broadcast_in_dim3A_1047 = arith.constant 1.000000e+00 : f32
        %broadcast_in_dim3A_1048 = vector.broadcast %broadcast_in_dim3A_1047 : f32 to vector<16xf32>
        tpu.vector_store_idx %arg10[%shift_right_logical3A_1043, %and3A_1046], %broadcast_in_dim3A_1048 {add = true} : memref<80x128xf32, #tpu.memory_space<vmem>>[vector<16xi32>, vector<16xi32>], vector<16xf32>,
        %dma_wait3A_1049 = arith.constant 0 : i32
        %dma_wait3A_1050 = arith.constant 0 : i32
        %dma_wait3A_1051 = arith.constant 0 : i32
        %dma_wait3A_1052 = arith.constant 0 : i32
        %dma_wait3A_1053 = tpu.memref_slice %arg8[%dma_wait3A_1049, %dma_wait3A_1051, %dma_wait3A_1052] : memref<2x128x128xf32, #tpu.memory_space<vmem>> -> memref<1x128x128xf32, #tpu.memory_space<vmem>>
        %dma_wait3A_1054 = tpu.memref_squeeze %dma_wait3A_1053 : memref<1x128x128xf32, #tpu.memory_space<vmem>> -> memref<128x128xf32, #tpu.memory_space<vmem>>
        %dma_wait3A_1055 = arith.constant 0 : i32
        %dma_wait3A_1056 = tpu.memref_slice %arg9[%dma_wait3A_1050, %dma_wait3A_1055] : memref<2x128xi32, #tpu.memory_space<vmem>> -> memref<1x128xi32, #tpu.memory_space<vmem>>
        %dma_wait3A_1057 = tpu.memref_squeeze %dma_wait3A_1056 : memref<1x128xi32, #tpu.memory_space<vmem>> -> memref<128xi32, #tpu.memory_space<vmem>>
        %dma_wait3A_1058 = arith.constant 0 : i32
        %dma_wait3A_1059 = arith.constant 0 : i32
        %dma_wait3A_1060 = tpu.memref_slice %arg6[%dma_wait3A_1058, %dma_wait3A_1059] : memref<10240x128xf32, #tpu.memory_space<vmem_shared>> -> memref<10240x128xf32, #tpu.memory_space<vmem_shared>>
        tpu.wait_indirect_dma semaphore(%arg17 : memref<!tpu.dma_semaphore, #tpu.memory_space<semaphore_mem>>) src(%dma_wait3A_1054 : memref<128x128xf32, #tpu.memory_space<vmem>>) dst(%dma_wait3A_1060 : memref<10240x128xf32, #tpu.memory_space<vmem_shared>>)
        %add3A_1061 = arith.constant 2 : i32
        %add3A_1062 = arith.addi %add3A_912, %add3A_1061 : i32
        %lt3A_1063 = arith.cmpi slt, %add3A_1062, %select_n3A : i32
        %convert_element_type3A_1064 = arith.extui %lt3A_1063 : i1 to i32
        %cond3A_1065 = arith.constant 0 : i32
        %cond3A_1066 = arith.cmpi ne, %convert_element_type3A_1064, %cond3A_1065 : i32
        scf.if %cond3A_1066 {
          %add3A_1067 = arith.constant 2 : i32
          %add3A_1068 = arith.addi %add3A_912, %add3A_1067 : i32
          %mul3A_1069 = arith.constant 32 : i32
          %mul3A_1070 = arith.muli %mul3A_1069, %add3A_1068 : i32
          %add3A_1071 = arith.addi %add3A, %mul3A_1070 : i32
          %mul3A_1072 = arith.constant 128 : i32
          %mul3A_1073 = arith.muli %add3A_1071, %mul3A_1072 : i32
          %dma_start3A_1074 = arith.constant 1 : i32
          %dma_start3A_1075 = arith.constant 0 : i32
          %dma_start3A_1076 = arith.constant 0 : i32
          %dma_start3A_1077 = tpu.memref_slice %arg8[%dma_start3A_1074, %dma_start3A_1075, %dma_start3A_1076] : memref<2x128x128xf32, #tpu.memory_space<vmem>> -> memref<1x128x128xf32, #tpu.memory_space<vmem>>
          %dma_start3A_1078 = tpu.memref_squeeze %dma_start3A_1077 : memref<1x128x128xf32, #tpu.memory_space<vmem>> -> memref<128x128xf32, #tpu.memory_space<vmem>>
          %dma_start3A_1079 = arith.constant 0 : i32
          %dma_start3A_1080 = tpu.memref_slice %arg3[%mul3A_1073, %dma_start3A_1079] : memref<320000x128xf32, #tpu.memory_space<hbm>> -> memref<128x128xf32, #tpu.memory_space<hbm>>
          %dma_start3A_1081 = arith.constant 0 : i32
          %dma_start3A_1082 = arith.constant 0 : i32
          %dma_start3A_1083 = tpu.memref_slice %arg8[%dma_start3A_1074, %dma_start3A_1081, %dma_start3A_1082] : memref<2x128x128xf32, #tpu.memory_space<vmem>> -> memref<1x128x128xf32, #tpu.memory_space<vmem>>
          %dma_start3A_1084 = tpu.memref_squeeze %dma_start3A_1083 : memref<1x128x128xf32, #tpu.memory_space<vmem>> -> memref<128x128xf32, #tpu.memory_space<vmem>>
          %dma_start3A_1085 = arith.constant 0 : i32
          %dma_start3A_1086 = tpu.memref_slice %arg3[%mul3A_1073, %dma_start3A_1085] : memref<320000x128xf32, #tpu.memory_space<hbm>> -> memref<128x128xf32, #tpu.memory_space<hbm>>
          tpu.enqueue_dma source(%dma_start3A_1086 : memref<128x128xf32, #tpu.memory_space<hbm>>) target(%dma_start3A_1084 : memref<128x128xf32, #tpu.memory_space<vmem>>) target_semaphore(%arg14 : memref<!tpu.dma_semaphore, #tpu.memory_space<semaphore_mem>>)
          %dma_start3A_1087 = arith.constant 1 : i32
          %dma_start3A_1088 = arith.constant 0 : i32
          %dma_start3A_1089 = tpu.memref_slice %arg9[%dma_start3A_1087, %dma_start3A_1088] : memref<2x128xi32, #tpu.memory_space<vmem>> -> memref<1x128xi32, #tpu.memory_space<vmem>>
          %dma_start3A_1090 = tpu.memref_squeeze %dma_start3A_1089 : memref<1x128xi32, #tpu.memory_space<vmem>> -> memref<128xi32, #tpu.memory_space<vmem>>
          %dma_start3A_1091 = tpu.memref_slice %arg2[%mul3A_1073] : memref<320000xi32, #tpu.memory_space<hbm>> -> memref<128xi32, #tpu.memory_space<hbm>>
          %dma_start3A_1092 = arith.constant 0 : i32
          %dma_start3A_1093 = tpu.memref_slice %arg9[%dma_start3A_1087, %dma_start3A_1092] : memref<2x128xi32, #tpu.memory_space<vmem>> -> memref<1x128xi32, #tpu.memory_space<vmem>>
          %dma_start3A_1094 = tpu.memref_squeeze %dma_start3A_1093 : memref<1x128xi32, #tpu.memory_space<vmem>> -> memref<128xi32, #tpu.memory_space<vmem>>
          %dma_start3A_1095 = tpu.memref_slice %arg2[%mul3A_1073] : memref<320000xi32, #tpu.memory_space<hbm>> -> memref<128xi32, #tpu.memory_space<hbm>>
          tpu.enqueue_dma source(%dma_start3A_1095 : memref<128xi32, #tpu.memory_space<hbm>>) target(%dma_start3A_1094 : memref<128xi32, #tpu.memory_space<vmem>>) target_semaphore(%arg16 : memref<!tpu.dma_semaphore, #tpu.memory_space<semaphore_mem>>)
        } else {
        }
      } else {
      }
    }
    %scan3A_889 = arith.constant 40 : i32
    "tpu.region"() ({
      %run_scoped3A = tpu.sem_alloc : memref<!tpu.dma_semaphore, #tpu.memory_space<semaphore_mem>>
      %dma_start3A_900 = arith.constant 0 : i32
      %dma_start3A_901 = arith.constant 0 : i32
      %dma_start3A_902 = tpu.memref_slice %arg7[%dma_start3A_900, %dma_start3A_901] : memref<80x128xf32, #tpu.memory_space<vmem_shared>> -> memref<80x128xf32, #tpu.memory_space<vmem_shared>>
      tpu.enqueue_indirect_dma source(%arg10 : memref<80x128xf32, #tpu.memory_space<vmem>>) target(%dma_start3A_902 : memref<80x128xf32, #tpu.memory_space<vmem_shared>>) offsets(%arg12 : memref<80xi32, #tpu.memory_space<vmem>>) semaphore(%run_scoped3A : memref<!tpu.dma_semaphore, #tpu.memory_space<semaphore_mem>>) {add = true}
      %dma_wait3A = arith.constant 0 : i32
      %dma_wait3A_903 = arith.constant 0 : i32
      %dma_wait3A_904 = tpu.memref_slice %arg7[%dma_wait3A, %dma_wait3A_903] : memref<80x128xf32, #tpu.memory_space<vmem_shared>> -> memref<80x128xf32, #tpu.memory_space<vmem_shared>>
      tpu.wait_indirect_dma semaphore(%run_scoped3A : memref<!tpu.dma_semaphore, #tpu.memory_space<semaphore_mem>>) src(%arg10 : memref<80x128xf32, #tpu.memory_space<vmem>>) dst(%dma_wait3A_904 : memref<80x128xf32, #tpu.memory_space<vmem_shared>>)
      tpu.yield
    }) : () -> ()
    %barrier3A_890 = arith.constant 0 : index
    tpu.barrier barrier_id(%barrier3A_890)
    %mul3A_891 = arith.constant 640 : i32
    %mul3A_892 = arith.muli %arg1, %mul3A_891 : i32
    %mul3A_893 = arith.constant 640 : i32
    %mul3A_894 = arith.muli %arg1, %mul3A_893 : i32
    "tpu.region"() ({
      %run_scoped3A = tpu.sem_alloc : memref<!tpu.dma_semaphore, #tpu.memory_space<semaphore_mem>>
      %dma_start3A_900 = arith.constant 0 : i32
      %dma_start3A_901 = tpu.memref_slice %arg4[%arg0, %mul3A_894, %dma_start3A_900] : memref<2x10240x128xf32, #tpu.memory_space<hbm>> -> memref<1x640x128xf32, #tpu.memory_space<hbm>>
      %dma_start3A_902 = tpu.memref_squeeze %dma_start3A_901 : memref<1x640x128xf32, #tpu.memory_space<hbm>> -> memref<640x128xf32, #tpu.memory_space<hbm>>
      %dma_start3A_903 = arith.constant 0 : i32
      %dma_start3A_904 = tpu.memref_slice %arg6[%mul3A_892, %dma_start3A_903] : memref<10240x128xf32, #tpu.memory_space<vmem_shared>> -> memref<640x128xf32, #tpu.memory_space<vmem_shared>>
      tpu.enqueue_dma source(%dma_start3A_904 : memref<640x128xf32, #tpu.memory_space<vmem_shared>>) target(%dma_start3A_902 : memref<640x128xf32, #tpu.memory_space<hbm>>) target_semaphore(%run_scoped3A : memref<!tpu.dma_semaphore, #tpu.memory_space<semaphore_mem>>)
      %dma_wait3A = arith.constant 0 : i32
      %dma_wait3A_905 = tpu.memref_slice %arg4[%arg0, %mul3A_894, %dma_wait3A] : memref<2x10240x128xf32, #tpu.memory_space<hbm>> -> memref<1x640x128xf32, #tpu.memory_space<hbm>>
      %dma_wait3A_906 = tpu.memref_squeeze %dma_wait3A_905 : memref<1x640x128xf32, #tpu.memory_space<hbm>> -> memref<640x128xf32, #tpu.memory_space<hbm>>
      %dma_wait3A_907 = arith.constant 0 : i32
      %dma_wait3A_908 = tpu.memref_slice %arg6[%mul3A_892, %dma_wait3A_907] : memref<10240x128xf32, #tpu.memory_space<vmem_shared>> -> memref<640x128xf32, #tpu.memory_space<vmem_shared>>
      tpu.wait_dma2 semaphore(%run_scoped3A : memref<!tpu.dma_semaphore, #tpu.memory_space<semaphore_mem>>) src(%dma_wait3A_908 : memref<640x128xf32, #tpu.memory_space<vmem_shared>>) dst(%dma_wait3A_906 : memref<640x128xf32, #tpu.memory_space<hbm>>)
      tpu.yield
    }) : () -> ()
    %lt3A_895 = arith.constant 5 : i32
    %lt3A_896 = arith.cmpi slt, %arg1, %lt3A_895 : i32
    %convert_element_type3A_897 = arith.extui %lt3A_896 : i1 to i32
    %cond3A_898 = arith.constant 0 : i32
    %cond3A_899 = arith.cmpi ne, %convert_element_type3A_897, %cond3A_898 : i32
    scf.if %cond3A_899 {
      %mul3A_900 = arith.constant 16 : i32
      %mul3A_901 = arith.muli %arg1, %mul3A_900 : i32
      %mul3A_902 = arith.constant 16 : i32
      %mul3A_903 = arith.muli %arg1, %mul3A_902 : i32
      "tpu.region"() ({
        %run_scoped3A = tpu.sem_alloc : memref<!tpu.dma_semaphore, #tpu.memory_space<semaphore_mem>>
        %dma_start3A_904 = arith.constant 0 : i32
        %dma_start3A_905 = tpu.memref_slice %arg5[%arg0, %mul3A_903, %dma_start3A_904] : memref<2x80x128xf32, #tpu.memory_space<hbm>> -> memref<1x16x128xf32, #tpu.memory_space<hbm>>
        %dma_start3A_906 = tpu.memref_squeeze %dma_start3A_905 : memref<1x16x128xf32, #tpu.memory_space<hbm>> -> memref<16x128xf32, #tpu.memory_space<hbm>>
        %dma_start3A_907 = arith.constant 0 : i32
        %dma_start3A_908 = tpu.memref_slice %arg7[%mul3A_901, %dma_start3A_907] : memref<80x128xf32, #tpu.memory_space<vmem_shared>> -> memref<16x128xf32, #tpu.memory_space<vmem_shared>>
        tpu.enqueue_dma source(%dma_start3A_908 : memref<16x128xf32, #tpu.memory_space<vmem_shared>>) target(%dma_start3A_906 : memref<16x128xf32, #tpu.memory_space<hbm>>) target_semaphore(%run_scoped3A : memref<!tpu.dma_semaphore, #tpu.memory_space<semaphore_mem>>)
        %dma_wait3A = arith.constant 0 : i32
        %dma_wait3A_909 = tpu.memref_slice %arg5[%arg0, %mul3A_903, %dma_wait3A] : memref<2x80x128xf32, #tpu.memory_space<hbm>> -> memref<1x16x128xf32, #tpu.memory_space<hbm>>
        %dma_wait3A_910 = tpu.memref_squeeze %dma_wait3A_909 : memref<1x16x128xf32, #tpu.memory_space<hbm>> -> memref<16x128xf32, #tpu.memory_space<hbm>>
        %dma_wait3A_911 = arith.constant 0 : i32
        %dma_wait3A_912 = tpu.memref_slice %arg7[%mul3A_901, %dma_wait3A_911] : memref<80x128xf32, #tpu.memory_space<vmem_shared>> -> memref<16x128xf32, #tpu.memory_space<vmem_shared>>
        tpu.wait_dma2 semaphore(%run_scoped3A : memref<!tpu.dma_semaphore, #tpu.memory_space<semaphore_mem>>) src(%dma_wait3A_912 : memref<16x128xf32, #tpu.memory_space<vmem_shared>>) dst(%dma_wait3A_910 : memref<16x128xf32, #tpu.memory_space<hbm>>)
        tpu.yield
      }) : () -> ()
    } else {
    }
    return
  }
}

module attributes {stable_mosaic.version = 14 : i64} {
  func.func @_tc_mlp_body(%arg0: i32, %arg1: memref<512x128xf32, #tpu.memory_space<vmem>>, %arg2: memref<2x512x128xf32, #tpu.memory_space<vmem>>, %arg3: memref<2x80x128xf32, #tpu.memory_space<vmem>>, %arg4: memref<384x128xf32, #tpu.memory_space<vmem>>, %arg5: memref<128x128xf32, #tpu.memory_space<vmem>>, %arg6: memref<1x128xf32, #tpu.memory_space<vmem>>, %arg7: memref<512x128xf32, #tpu.memory_space<vmem>>) attributes {dimension_semantics = [#tpu.dimension_semantics<arbitrary>], iteration_bounds = array<i64: 20>, scalar_prefetch = 0 : i64, scratch_operands = 0 : i64, tpu.core_type = #tpu.core_type<tc>, window_params = [{transform_indices = @transform_0, window_bounds = array<i64: 512, 128>}, {transform_indices = @transform_1, window_bounds = array<i64: 2, 512, 128>}, {pipeline_mode = #tpu.pipeline_mode<synchronous>, transform_indices = @transform_2, window_bounds = array<i64: 2, 80, 128>}, {pipeline_mode = #tpu.pipeline_mode<synchronous>, transform_indices = @transform_3, window_bounds = array<i64: 384, 128>}, {pipeline_mode = #tpu.pipeline_mode<synchronous>, transform_indices = @transform_4, window_bounds = array<i64: 128, 128>}, {pipeline_mode = #tpu.pipeline_mode<synchronous>, transform_indices = @transform_5, window_bounds = array<i64: 1, 128>}, {transform_indices = @transform_6, window_bounds = array<i64: 512, 128>}]} {
    %get3A = arith.constant 0 : index
    %get3A_0 = arith.constant 0 : index
    %get3A_1 = arith.constant 0 : index
    %get3A_2 = vector.load %arg2[%get3A, %get3A_0, %get3A_1] : memref<2x512x128xf32, #tpu.memory_space<vmem>>, vector<1x512x128xf32>
    %get3A_3 = vector.shape_cast %get3A_2 : vector<1x512x128xf32> to vector<512x128xf32>
    %get3A_4 = arith.constant 1 : index
    %get3A_5 = arith.constant 0 : index
    %get3A_6 = arith.constant 0 : index
    %get3A_7 = vector.load %arg2[%get3A_4, %get3A_5, %get3A_6] : memref<2x512x128xf32, #tpu.memory_space<vmem>>, vector<1x512x128xf32>
    %get3A_8 = vector.shape_cast %get3A_7 : vector<1x512x128xf32> to vector<512x128xf32>
    %add3A = arith.addf %get3A_3, %get3A_8 : vector<512x128xf32>
    %get3A_9 = arith.constant 0 : index
    %get3A_10 = arith.constant 0 : index
    %get3A_11 = arith.constant 0 : index
    %get3A_12 = vector.load %arg3[%get3A_9, %get3A_10, %get3A_11] : memref<2x80x128xf32, #tpu.memory_space<vmem>>, vector<1x80x128xf32>
    %get3A_13 = vector.shape_cast %get3A_12 : vector<1x80x128xf32> to vector<80x128xf32>
    %get3A_14 = arith.constant 1 : index
    %get3A_15 = arith.constant 0 : index
    %get3A_16 = arith.constant 0 : index
    %get3A_17 = vector.load %arg3[%get3A_14, %get3A_15, %get3A_16] : memref<2x80x128xf32, #tpu.memory_space<vmem>>, vector<1x80x128xf32>
    %get3A_18 = vector.shape_cast %get3A_17 : vector<1x80x128xf32> to vector<80x128xf32>
    %add3A_19 = arith.addf %get3A_13, %get3A_18 : vector<80x128xf32>
    %iota3A = tpu.iota {dimensions = array<i32: 0>} : vector<512x1xi32>
    %mul3A = arith.constant 512 : i32
    %mul3A_20 = arith.muli %arg0, %mul3A : i32
    %add3A_21 = vector.broadcast %mul3A_20 : i32 to vector<512x1xi32>
    %add3A_22 = arith.addi %iota3A, %add3A_21 : vector<512x1xi32>
    %jit3A = arith.constant 128 : i32
    %div3A = vector.broadcast %jit3A : i32 to vector<512x1xi32>
    %div3A_23 = arith.divsi %add3A_22, %div3A : vector<512x1xi32>
    %sign3A = arith.constant 0 : i32
    %sign3A_24 = vector.broadcast %sign3A : i32 to vector<512x1xi32>
    %sign3A_25 = arith.cmpi sgt, %add3A_22, %sign3A_24 : vector<512x1xi32>
    %sign3A_26 = arith.extui %sign3A_25 : vector<512x1xi1> to vector<512x1xi32>
    %sign3A_27 = arith.constant 0 : i32
    %sign3A_28 = vector.broadcast %sign3A_27 : i32 to vector<512x1xi32>
    %sign3A_29 = arith.cmpi slt, %add3A_22, %sign3A_28 : vector<512x1xi32>
    %sign3A_30 = arith.extui %sign3A_29 : vector<512x1xi1> to vector<512x1xi32>
    %sign3A_31 = arith.subi %sign3A_26, %sign3A_30 : vector<512x1xi32>
    %sign3A_32 = arith.constant 0 : i32
    %sign3A_33 = arith.cmpi sgt, %jit3A, %sign3A_32 : i32
    %sign3A_34 = arith.extui %sign3A_33 : i1 to i32
    %sign3A_35 = arith.constant 0 : i32
    %sign3A_36 = arith.cmpi slt, %jit3A, %sign3A_35 : i32
    %sign3A_37 = arith.extui %sign3A_36 : i1 to i32
    %sign3A_38 = arith.subi %sign3A_34, %sign3A_37 : i32
    %ne3A = vector.broadcast %sign3A_38 : i32 to vector<512x1xi32>
    %ne3A_39 = arith.cmpi ne, %sign3A_31, %ne3A : vector<512x1xi32>
    %rem3A = vector.broadcast %jit3A : i32 to vector<512x1xi32>
    %rem3A_40 = arith.remsi %add3A_22, %rem3A : vector<512x1xi32>
    %ne3A_41 = arith.constant 0 : i32
    %ne3A_42 = vector.broadcast %ne3A_41 : i32 to vector<512x1xi32>
    %ne3A_43 = arith.cmpi ne, %rem3A_40, %ne3A_42 : vector<512x1xi32>
    %and3A = arith.andi %ne3A_39, %ne3A_43 : vector<512x1xi1>
    %sub3A = arith.constant 1 : i32
    %sub3A_44 = vector.broadcast %sub3A : i32 to vector<512x1xi32>
    %sub3A_45 = arith.subi %div3A_23, %sub3A_44 : vector<512x1xi32>
    %select_n3A = arith.select %and3A, %sub3A_45, %div3A_23 : vector<512x1xi1>, vector<512x1xi32>
    %iota3A_46 = tpu.iota {dimensions = array<i32: 1>} : vector<1x80xi32>
    %eq3A = vector.broadcast %select_n3A : vector<512x1xi32> to vector<512x80xi32>
    %eq3A_47 = vector.broadcast %iota3A_46 : vector<1x80xi32> to vector<512x80xi32>
    %eq3A_48 = arith.cmpi eq, %eq3A, %eq3A_47 : vector<512x80xi32>
    %convert_element_type3A = arith.extui %eq3A_48 : vector<512x80xi1> to vector<512x80xi32>
    %convert_element_type3A_49 = arith.sitofp %convert_element_type3A : vector<512x80xi32> to vector<512x80xf32>
    %jit3A_50 = arith.constant 128 : i32
    %eq3A_51 = arith.constant 0 : i32
    %eq3A_52 = arith.cmpi eq, %jit3A_50, %eq3A_51 : i32
    %jit3A_53 = arith.constant 1 : i32
    %select_n3A_54 = arith.select %eq3A_52, %jit3A_53, %jit3A_50 : i32
    %rem3A_55 = vector.broadcast %select_n3A_54 : i32 to vector<512x1xi32>
    %rem3A_56 = arith.remsi %add3A_22, %rem3A_55 : vector<512x1xi32>
    %ne3A_57 = arith.constant 0 : i32
    %ne3A_58 = vector.broadcast %ne3A_57 : i32 to vector<512x1xi32>
    %ne3A_59 = arith.cmpi ne, %rem3A_56, %ne3A_58 : vector<512x1xi32>
    %lt3A = arith.constant 0 : i32
    %lt3A_60 = vector.broadcast %lt3A : i32 to vector<512x1xi32>
    %lt3A_61 = arith.cmpi slt, %rem3A_56, %lt3A_60 : vector<512x1xi32>
    %lt3A_62 = arith.constant 0 : i32
    %lt3A_63 = arith.cmpi slt, %select_n3A_54, %lt3A_62 : i32
    %ne3A_64 = vector.broadcast %lt3A_63 : i1 to vector<512x1xi1>
    %ne3A_65 = vector.broadcast %ne3A_64 : vector<512x1xi1> to vector<512x1xi1>
    %ne3A_66 = arith.xori %lt3A_61, %ne3A_65 : vector<512x1xi1>
    %and3A_67 = arith.andi %ne3A_66, %ne3A_59 : vector<512x1xi1>
    %add3A_68 = vector.broadcast %select_n3A_54 : i32 to vector<512x1xi32>
    %add3A_69 = arith.addi %rem3A_56, %add3A_68 : vector<512x1xi32>
    %select_n3A_70 = arith.select %and3A_67, %add3A_69, %rem3A_56 : vector<512x1xi1>, vector<512x1xi32>
    %iota3A_71 = tpu.iota {dimensions = array<i32: 1>} : vector<1x128xi32>
    %eq3A_72 = vector.broadcast %select_n3A_70 : vector<512x1xi32> to vector<512x128xi32>
    %eq3A_73 = vector.broadcast %iota3A_71 : vector<1x128xi32> to vector<512x128xi32>
    %eq3A_74 = arith.cmpi eq, %eq3A_72, %eq3A_73 : vector<512x128xi32>
    %convert_element_type3A_75 = arith.extui %eq3A_74 : vector<512x128xi1> to vector<512x128xi32>
    %convert_element_type3A_76 = arith.sitofp %convert_element_type3A_75 : vector<512x128xi32> to vector<512x128xf32>
    %dot_general3A = arith.constant dense<0.000000e+00> : vector<512x128xf32>
    %dot_general3A_77 = tpu.matmul %convert_element_type3A_49, %add3A_19, %dot_general3A {dimension_numbers = #tpu.dot_dimension_numbers<[1], [0], [0], [1], [0, 0, 1, 1], [], []>, transpose_lhs_hint = false} : vector<512x80xf32>, vector<80x128xf32>, vector<512x128xf32> -> vector<512x128xf32>
    %mul3A_78 = arith.mulf %dot_general3A_77, %convert_element_type3A_76 : vector<512x128xf32>
    %reduce_sum3A = arith.constant dense<0.000000e+00> : vector<512xf32>
    %reduce_sum3A_79 = vector.multi_reduction <add>, %mul3A_78, %reduce_sum3A [1] : vector<512x128xf32> to vector<512xf32>
    %broadcast_in_dim3A = vector.shape_cast %reduce_sum3A_79 : vector<512xf32> to vector<512x1xf32>
    %max3A = arith.constant 1.000000e+00 : f32
    %max3A_80 = vector.broadcast %max3A : f32 to vector<512x1xf32>
    %max3A_81 = arith.maximumf %broadcast_in_dim3A, %max3A_80 : vector<512x1xf32>
    %div3A_82 = vector.broadcast %max3A_81 : vector<512x1xf32> to vector<512x128xf32>
    %div3A_83 = arith.divf %add3A, %div3A_82 : vector<512x128xf32>
    %get3A_84 = arith.constant 0 : index
    %get3A_85 = arith.constant 0 : index
    %get3A_86 = vector.load %arg1[%get3A_84, %get3A_85] : memref<512x128xf32, #tpu.memory_space<vmem>>, vector<512x128xf32>
    %get3A_87 = arith.constant 128 : index
    %get3A_88 = arith.constant 0 : index
    %get3A_89 = vector.load %arg4[%get3A_87, %get3A_88] : memref<384x128xf32, #tpu.memory_space<vmem>>, vector<128x128xf32>
    %dot_general3A_90 = arith.constant dense<0.000000e+00> : vector<512x128xf32>
    %dot_general3A_91 = tpu.matmul %div3A_83, %get3A_89, %dot_general3A_90 {dimension_numbers = #tpu.dot_dimension_numbers<[1], [0], [0], [1], [0, 0, 1, 1], [], []>, transpose_lhs_hint = false} : vector<512x128xf32>, vector<128x128xf32>, vector<512x128xf32> -> vector<512x128xf32>
    %add3A_92 = arith.addf %get3A_86, %dot_general3A_91 : vector<512x128xf32>
    %max3A_93 = arith.constant 0.000000e+00 : f32
    %max3A_94 = vector.broadcast %max3A_93 : f32 to vector<512x128xf32>
    %max3A_95 = arith.maximumf %add3A_92, %max3A_94 : vector<512x128xf32>
    %get3A_96 = arith.constant 0 : index
    %get3A_97 = arith.constant 0 : index
    %get3A_98 = vector.load %arg5[%get3A_96, %get3A_97] : memref<128x128xf32, #tpu.memory_space<vmem>>, vector<128x128xf32>
    %dot_general3A_99 = arith.constant dense<0.000000e+00> : vector<512x128xf32>
    %dot_general3A_100 = tpu.matmul %max3A_95, %get3A_98, %dot_general3A_99 {dimension_numbers = #tpu.dot_dimension_numbers<[1], [0], [0], [1], [0, 0, 1, 1], [], []>, transpose_lhs_hint = false} : vector<512x128xf32>, vector<128x128xf32>, vector<512x128xf32> -> vector<512x128xf32>
    %get3A_101 = arith.constant 0 : index
    %get3A_102 = arith.constant 0 : index
    %get3A_103 = vector.load %arg6[%get3A_101, %get3A_102] : memref<1x128xf32, #tpu.memory_space<vmem>>, vector<1x128xf32>
    %add3A_104 = vector.broadcast %get3A_103 : vector<1x128xf32> to vector<512x128xf32>
    %add3A_105 = arith.addf %dot_general3A_100, %add3A_104 : vector<512x128xf32>
    %swap3A = arith.constant 0 : index
    %swap3A_106 = arith.constant 0 : index
    %swap3A_107 = vector.load %arg7[%swap3A, %swap3A_106] : memref<512x128xf32, #tpu.memory_space<vmem>>, vector<512x128xf32>
    tpu.vector_store %arg7[%swap3A, %swap3A_106], %add3A_105 {strides = array<i32>} : memref<512x128xf32, #tpu.memory_space<vmem>>, vector<512x128xf32>,
    return
  }
  func.func @transform_0(%arg0: i32) -> (i32, i32) {
    %c0_i32 = arith.constant 0 : i32
    %c0_i32_0 = arith.constant 0 : i32
    return %arg0, %c0_i32 : i32, i32
  }
  func.func @transform_1(%arg0: i32) -> (i32, i32, i32) {
    %c0_i32 = arith.constant 0 : i32
    %c0_i32_0 = arith.constant 0 : i32
    %c0_i32_1 = arith.constant 0 : i32
    return %c0_i32, %arg0, %c0_i32_0 : i32, i32, i32
  }
  func.func @transform_2(%arg0: i32) -> (i32, i32, i32) {
    %c0_i32 = arith.constant 0 : i32
    %c0_i32_0 = arith.constant 0 : i32
    %c0_i32_1 = arith.constant 0 : i32
    %c0_i32_2 = arith.constant 0 : i32
    return %c0_i32, %c0_i32_0, %c0_i32_1 : i32, i32, i32
  }
  func.func @transform_3(%arg0: i32) -> (i32, i32) {
    %c0_i32 = arith.constant 0 : i32
    %c0_i32_0 = arith.constant 0 : i32
    %c0_i32_1 = arith.constant 0 : i32
    return %c0_i32, %c0_i32_0 : i32, i32
  }
  func.func @transform_4(%arg0: i32) -> (i32, i32) {
    %c0_i32 = arith.constant 0 : i32
    %c0_i32_0 = arith.constant 0 : i32
    %c0_i32_1 = arith.constant 0 : i32
    return %c0_i32, %c0_i32_0 : i32, i32
  }
  func.func @transform_5(%arg0: i32) -> (i32, i32) {
    %c0_i32 = arith.constant 0 : i32
    %c0_i32_0 = arith.constant 0 : i32
    %c0_i32_1 = arith.constant 0 : i32
    return %c0_i32, %c0_i32_0 : i32, i32
  }
  func.func @transform_6(%arg0: i32) -> (i32, i32) {
    %c0_i32 = arith.constant 0 : i32
    %c0_i32_0 = arith.constant 0 : i32
    return %arg0, %c0_i32 : i32, i32
  }
}

module attributes {stable_mosaic.version = 14 : i64} {
  func.func @_tc_pre_body(%arg0: i32, %arg1: memref<512x128xf32, #tpu.memory_space<vmem>>, %arg2: memref<64x128xf32, #tpu.memory_space<vmem>>, %arg3: memref<1x1x512xi32, #tpu.memory_space<vmem>>, %arg4: memref<384x128xf32, #tpu.memory_space<vmem>>, %arg5: memref<1x128xf32, #tpu.memory_space<vmem>>, %arg6: memref<512x128xf32, #tpu.memory_space<vmem>>) attributes {dimension_semantics = [#tpu.dimension_semantics<arbitrary>], iteration_bounds = array<i64: 20>, scalar_prefetch = 0 : i64, scratch_operands = 0 : i64, tpu.core_type = #tpu.core_type<tc>, window_params = [{transform_indices = @transform_0, window_bounds = array<i64: 512, 128>}, {pipeline_mode = #tpu.pipeline_mode<synchronous>, transform_indices = @transform_1, window_bounds = array<i64: 64, 128>}, {transform_indices = @transform_2, window_bounds = array<i64: 1, 1, 512>}, {pipeline_mode = #tpu.pipeline_mode<synchronous>, transform_indices = @transform_3, window_bounds = array<i64: 384, 128>}, {pipeline_mode = #tpu.pipeline_mode<synchronous>, transform_indices = @transform_4, window_bounds = array<i64: 1, 128>}, {transform_indices = @transform_5, window_bounds = array<i64: 512, 128>}]} {
    %get3A = arith.constant 0 : index
    %get3A_0 = arith.constant 0 : index
    %get3A_1 = vector.load %arg2[%get3A, %get3A_0] : memref<64x128xf32, #tpu.memory_space<vmem>>, vector<64x128xf32>
    %get3A_2 = arith.constant 256 : index
    %get3A_3 = arith.constant 0 : index
    %get3A_4 = vector.load %arg4[%get3A_2, %get3A_3] : memref<384x128xf32, #tpu.memory_space<vmem>>, vector<128x128xf32>
    %dot_general3A = arith.constant dense<0.000000e+00> : vector<64x128xf32>
    %dot_general3A_5 = tpu.matmul %get3A_1, %get3A_4, %dot_general3A {dimension_numbers = #tpu.dot_dimension_numbers<[1], [0], [0], [1], [0, 0, 1, 1], [], []>, transpose_lhs_hint = false} : vector<64x128xf32>, vector<128x128xf32>, vector<64x128xf32> -> vector<64x128xf32>
    %get3A_6 = arith.constant 0 : index
    %get3A_7 = arith.constant 0 : index
    %get3A_8 = arith.constant 0 : index
    %get3A_9 = vector.load %arg3[%get3A_6, %get3A_7, %get3A_8] : memref<1x1x512xi32, #tpu.memory_space<vmem>>, vector<1x1x512xi32>
    %get3A_10 = vector.shape_cast %get3A_9 : vector<1x1x512xi32> to vector<512xi32>
    %broadcast_in_dim3A = vector.shape_cast %get3A_10 : vector<512xi32> to vector<512x1xi32>
    %iota3A = tpu.iota {dimensions = array<i32: 1>} : vector<1x64xi32>
    %eq3A = vector.broadcast %broadcast_in_dim3A : vector<512x1xi32> to vector<512x64xi32>
    %eq3A_11 = vector.broadcast %iota3A : vector<1x64xi32> to vector<512x64xi32>
    %eq3A_12 = arith.cmpi eq, %eq3A, %eq3A_11 : vector<512x64xi32>
    %convert_element_type3A = arith.extui %eq3A_12 : vector<512x64xi1> to vector<512x64xi32>
    %convert_element_type3A_13 = arith.sitofp %convert_element_type3A : vector<512x64xi32> to vector<512x64xf32>
    %get3A_14 = arith.constant 0 : index
    %get3A_15 = arith.constant 0 : index
    %get3A_16 = vector.load %arg1[%get3A_14, %get3A_15] : memref<512x128xf32, #tpu.memory_space<vmem>>, vector<512x128xf32>
    %get3A_17 = arith.constant 0 : index
    %get3A_18 = arith.constant 0 : index
    %get3A_19 = vector.load %arg4[%get3A_17, %get3A_18] : memref<384x128xf32, #tpu.memory_space<vmem>>, vector<128x128xf32>
    %dot_general3A_20 = arith.constant dense<0.000000e+00> : vector<512x128xf32>
    %dot_general3A_21 = tpu.matmul %get3A_16, %get3A_19, %dot_general3A_20 {dimension_numbers = #tpu.dot_dimension_numbers<[1], [0], [0], [1], [0, 0, 1, 1], [], []>, transpose_lhs_hint = false} : vector<512x128xf32>, vector<128x128xf32>, vector<512x128xf32> -> vector<512x128xf32>
    %dot_general3A_22 = arith.constant dense<0.000000e+00> : vector<512x128xf32>
    %dot_general3A_23 = tpu.matmul %convert_element_type3A_13, %dot_general3A_5, %dot_general3A_22 {dimension_numbers = #tpu.dot_dimension_numbers<[1], [0], [0], [1], [0, 0, 1, 1], [], []>, transpose_lhs_hint = false} : vector<512x64xf32>, vector<64x128xf32>, vector<512x128xf32> -> vector<512x128xf32>
    %add3A = arith.addf %dot_general3A_21, %dot_general3A_23 : vector<512x128xf32>
    %get3A_24 = arith.constant 0 : index
    %get3A_25 = arith.constant 0 : index
    %get3A_26 = vector.load %arg5[%get3A_24, %get3A_25] : memref<1x128xf32, #tpu.memory_space<vmem>>, vector<1x128xf32>
    %add3A_27 = vector.broadcast %get3A_26 : vector<1x128xf32> to vector<512x128xf32>
    %add3A_28 = arith.addf %add3A, %add3A_27 : vector<512x128xf32>
    %swap3A = arith.constant 0 : index
    %swap3A_29 = arith.constant 0 : index
    %swap3A_30 = vector.load %arg6[%swap3A, %swap3A_29] : memref<512x128xf32, #tpu.memory_space<vmem>>, vector<512x128xf32>
    tpu.vector_store %arg6[%swap3A, %swap3A_29], %add3A_28 {strides = array<i32>} : memref<512x128xf32, #tpu.memory_space<vmem>>, vector<512x128xf32>,
    return
  }
  func.func @transform_0(%arg0: i32) -> (i32, i32) {
    %c0_i32 = arith.constant 0 : i32
    %c0_i32_0 = arith.constant 0 : i32
    return %arg0, %c0_i32 : i32, i32
  }
  func.func @transform_1(%arg0: i32) -> (i32, i32) {
    %c0_i32 = arith.constant 0 : i32
    %c0_i32_0 = arith.constant 0 : i32
    %c0_i32_1 = arith.constant 0 : i32
    return %c0_i32, %c0_i32_0 : i32, i32
  }
  func.func @transform_2(%arg0: i32) -> (i32, i32, i32) {
    %c0_i32 = arith.constant 0 : i32
    %c0_i32_0 = arith.constant 0 : i32
    %c0_i32_1 = arith.constant 0 : i32
    return %arg0, %c0_i32, %c0_i32_0 : i32, i32, i32
  }
  func.func @transform_3(%arg0: i32) -> (i32, i32) {
    %c0_i32 = arith.constant 0 : i32
    %c0_i32_0 = arith.constant 0 : i32
    %c0_i32_1 = arith.constant 0 : i32
    return %c0_i32, %c0_i32_0 : i32, i32
  }
  func.func @transform_4(%arg0: i32) -> (i32, i32) {
    %c0_i32 = arith.constant 0 : i32
    %c0_i32_0 = arith.constant 0 : i32
    %c0_i32_1 = arith.constant 0 : i32
    return %c0_i32, %c0_i32_0 : i32, i32
  }
  func.func @transform_5(%arg0: i32) -> (i32, i32) {
    %c0_i32 = arith.constant 0 : i32
    %c0_i32_0 = arith.constant 0 : i32
    return %arg0, %c0_i32 : i32, i32
  }
}

</mosaic_0001>

<sc_bundles>
// kernel: kernel.5.cloned.1.call-start
scs
__scs_entry_jumppad:
0x0: {  	(pc) =	sbr.rel $0x88, $3  }
0x1: {  	(tag) =	ssettag $0x0;
	lr =	simm.s32 $0x1  }
0x2: {  	[smem:$0x3F98] =	sst lr;
	_ =	strace $0xD0000000  }
0x3: {  	_ = 	snop  }
0x4: {  	_ = 	snop  }
0x5: {  	_ = 	snop  }
0x6: {  	_ = 	snop  }
0x7: {  	_ = 	snop  }
__scs_overlays_trampoline_lowered:
0x8: {  	[smem:$0x3FA7] =	sst s0  }
0x9: {  	[smem:$0x3FA8] =	sst s1  }
0xa: {  	[smem:$0x3FA9] =	sst s2  }
0xb: {  	[smem:$0x3FAA] =	sst s3  }
0xc: {  	[smem:$0x3FAB] =	sst s4  }
0xd: {  	[smem:$0x3FAC] =	sst s5  }
0xe: {  	[smem:$0x3FAD] =	sst s6  }
0xf: {  	[smem:$0x3FAE] =	sst s7  }
0x10: {  	[smem:$0x3FAF] =	sst s8  }
0x11: {  	[smem:$0x3FB0] =	sst s9;
	s0 =	simm.s32 @!p0 $0x0  }
0x12: {  	s1 =	sld [smem:$0x3F96];
	s0 =	simm.s32 @p0 $0x1  }
0x13: {  	[smem:$0x3FB1] =	sst s0;
	s0 =	simm.s32 @!p1 $0x0  }
0x14: {  	s2 =	sld [smem:$0x3F95];
	s0 =	simm.s32 @p1 $0x1  }
0x15: {  	[smem:$0x3FB2] =	sst s0;
	s0 =	simm.s32 @!p2 $0x0  }
0x16: {  	s3 =	sld [smem:$0x3FDB];
	s0 =	simm.s32 @p2 $0x1  }
0x17: {  	s4 =	simm.s32 $0x1BF5;
	[smem:$0x3FB4] =	sst s0  }
0x18: {  	s0 =	sld [smem:$0x3F97];
	_ =	swait.ge [sflag:s4], $0x0  }
0x19: {  	s7 =	sld [smem:$0x3F98]  }
0x1a: {  	s8 =	sadd.s32 $0xFFFFE003, lr  }
0x1b: {  	s9 =	sadd.s32 $0xFFFFFEF7, lr;
	s5 =	simm.s32 $0xFFFFFFFF;
	p2 =	slt.u32 s8, $0xFFFFF086  }
0x1c: {  	p1 =	slt.u32 s9, $0xF7A;
	s5 =	simm.s32 @!p2 $0x0  }
0x1d: {  	s5 =	simm.s32 @p1 $0x1;
	p0 =	seq.s32 s7, s2  }
0x1e: {  	s7 =	smul.u32 @!p0 $0xF7A, s2;
	p2 =	seq.s32 @!p0 s5, $0x0  }
0x1f: {  	s9 =	smul.u32 $0xF7A, s1;
	s8 =	simm.s32 @!p0 $0x1BF5;
	p2 =	por !p2, p0  }
0x20: {  	[sflag:s8] =	ssyncset.s32 @!p0 $0xFFFFF086;
	s6 =	sadd.s32 @!p0 s3, s7;
	s7 =	simm.s32 @!p0 $0x108  }
0x21: {  	s3 =	sadd.s32 s3, s9;
	s6 =	sadd.s32 @!p0 $0x88, s6;
	s7 =	simm.s32 @p2 $0x1082  }
0x22: {  	[simem:s7], [sflag:s8] =	dma.local @!p0 [hbm:s6], $0xF7A  }
0x23: {  	s9 =	sor.u32 $0xD0000000, s2;
	s6 =	simm.s32 $0x108;
	_ =	swait.ge @!p0 [sflag:s8], $0x0  }
0x24: {  	s3 =	sadd.s32 $0x88, s3;
	s6 =	simm.s32 @!p1 $0x1082;
	[sflag:s4] =	ssyncset.s32 $0xFFFFF086  }
0x25: {  	[simem:s6], [sflag:s4] =	dma.local [hbm:s3], $0xF7A  }
0x26: {  	[smem:$0x3F98] =	sst s1;
	(tag) =	ssettag s2;
	_ =	strace s9  }
0x27: {  	s1 =	sld [smem:$0x3FA8]  }
0x28: {  	s2 =	sld [smem:$0x3FA9]  }
0x29: {  	s4 =	sld [smem:$0x3FAB]  }
0x2a: {  	p0 =	seq.s32 s5, $0x0;
	s5 =	sld [smem:$0x3FAC]  }
0x2b: {  	s6 =	sld [smem:$0x3FAD]  }
0x2c: {  	s7 =	sld [smem:$0x3FAE]  }
0x2d: {  	s3 =	simm.s32 $0x108;
	s8 =	sld [smem:$0x3FAF]  }
0x2e: {  	s3 =	simm.s32 @!p0 $0x1082;
	s9 =	sld [smem:$0x3FB0]  }
0x2f: {  	lr =	sadd.s32 s0, s3;
	s0 =	sld [smem:$0x3FA7]  }
0x30: {  	s3 =	sld [smem:$0x3FAA]  }
0x31: {  	[smem:$0x3FB3] =	sst s10  }
0x32: {  	s10 =	sld [smem:$0x3FB1];
	_ =	sdelay $0x3  }
0x33: {  	p0 =	seq.s32 s10, $0x1;
	s10 =	sld [smem:$0x3FB3];
	_ =	sdelay $0x3  }
0x34: {  	[smem:$0x3FB3] =	sst s10  }
0x35: {  	s10 =	sld [smem:$0x3FB2];
	_ =	sdelay $0x3  }
0x36: {  	p1 =	seq.s32 s10, $0x1;
	s10 =	sld [smem:$0x3FB3];
	_ =	sdelay $0x3  }
0x37: {  	[smem:$0x3FB3] =	sst s10  }
0x38: {  	s10 =	sld [smem:$0x3FB4]  }
0x39: {  	_ = 	snop;
	(pc) =	sbr.ind lr, $3  }
0x3a: {  	_ = 	snop  }
0x3b: {  	_ = 	snop  }
0x3c: {  	p2 =	seq.s32 s10, $0x1;
	s10 =	sld [smem:$0x3FB3]  }
0x3d: {  	_ =	shalt  }
0x3e: {  	_ =	shalt  }
0x3f: {  	_ =	shalt  }
0x40: {  	_ =	shalt  }
0x41: {  	_ =	shalt  }
0x42: {  	_ =	shalt  }
0x43: {  	_ =	shalt  }
0x44: {  	_ =	shalt  }
0x45: {  	_ =	shalt  }
0x46: {  	_ =	shalt  }
0x47: {  	_ =	shalt  }
0x48: {  	_ =	shalt  }
0x49: {  	_ =	shalt  }
0x4a: {  	_ =	shalt  }
0x4b: {  	_ =	shalt  }
0x4c: {  	_ =	shalt  }
0x4d: {  	_ =	shalt  }
0x4e: {  	_ =	shalt  }
0x4f: {  	_ =	shalt  }
0x50: {  	_ =	shalt  }
0x51: {  	_ =	shalt  }
0x52: {  	_ =	shalt  }
0x53: {  	_ =	shalt  }
0x54: {  	_ =	shalt  }
0x55: {  	_ =	shalt  }
0x56: {  	_ =	shalt  }
0x57: {  	_ =	shalt  }
0x58: {  	_ =	shalt  }
0x59: {  	_ =	shalt  }
0x5a: {  	_ =	shalt  }
0x5b: {  	_ =	shalt  }
0x5c: {  	_ =	shalt  }
0x5d: {  	_ =	shalt  }
0x5e: {  	_ =	shalt  }
0x5f: {  	_ =	shalt  }
0x60: {  	_ =	shalt  }
0x61: {  	_ =	shalt  }
0x62: {  	_ =	shalt  }
0x63: {  	_ =	shalt  }
0x64: {  	_ =	shalt  }
0x65: {  	_ =	shalt  }
0x66: {  	_ =	shalt  }
0x67: {  	_ =	shalt  }
0x68: {  	_ =	shalt  }
0x69: {  	_ =	shalt  }
0x6a: {  	_ =	shalt  }
0x6b: {  	_ =	shalt  }
0x6c: {  	_ =	shalt  }
0x6d: {  	_ =	shalt  }
0x6e: {  	_ =	shalt  }
0x6f: {  	_ =	shalt  }
0x70: {  	_ =	shalt  }
0x71: {  	_ =	shalt  }
0x72: {  	_ =	shalt  }
0x73: {  	_ =	shalt  }
0x74: {  	_ =	shalt  }
0x75: {  	_ =	shalt  }
0x76: {  	_ =	shalt  }
0x77: {  	_ =	shalt  }
0x78: {  	_ =	shalt  }
0x79: {  	_ =	shalt  }
0x7a: {  	_ =	shalt  }
0x7b: {  	_ =	shalt  }
0x7c: {  	_ =	shalt  }
0x7d: {  	_ =	shalt  }
0x7e: {  	_ =	shalt  }
0x7f: {  	_ =	shalt  }
0x80: {  	_ =	shalt  }
0x81: {  	_ =	shalt  }
0x82: {  	_ =	shalt  }
0x83: {  	_ =	shalt  }
0x84: {  	_ =	shalt  }
0x85: {  	_ =	shalt  }
0x86: {  	_ =	shalt  }
0x87: {  	_ =	shalt  }
.Lfunc_end0:
.L_simem_size_0:
called_computation_lowered:
.L_overlay_start_0:
0x88: {  	s2 =	sld [smem:$0x3FD9]  }
0x89: {  	s3 =	sld [smem:$0x3FFE];
	_ =	sdelay $0x1  }
0x8a: {  	s1 =	srdreg.scid  }
0x8b: {  	s0 =	sand.u32 $0x1, s1  }
0x8c: {  	s17 =	sshll.u32 s0, $0xA;
	s2 =	sadd.s32 s3, s2  }
0x8d: {  	s2 =	sadd.s32 s2, s17  }
0x8e: {  	[smem:$0x3FBF] =	sst s2  }
0x8f: {  	_ = 	snop  }
0x90: {  	s2 =	sld [smem:$0x3FC7]  }
0x91: {  	s18 =	sld [smem:$0x3FD0];
	(tm) =	ssettm $0x1  }
0x92: {  	s4 =	sld [smem:$0x3FFB];
	_ =	sdelay $0x3  }
0x93: {  	_ =	strace s4  }
0x94: {  	s4 =	sld [smem:$0x3FFC];
	_ =	sdelay $0x3  }
0x95: {  	_ =	strace s4  }
0x96: {  	s4 =	sld [smem:$0x3FFD];
	_ =	sdelay $0x3  }
0x97: {  	_ =	strace s4  }
0x98: {  	_ =	strace $0x8FFFFFFF  }
0x99: {  	s19 =	sld [smem:$0x3FDB];
	_ =	sdelay $0x1  }
0x9a: {  	s5 =	simm.s32 $_scs_section_size  }
0x9b: {  	s6 =	simm.s32 $_size__tile_overlayer_lowered;
	s7 =	simm.s32 $_tile_overlayer_lowered  }
0x9c: {  	s22 =	simm.s32 $0x1BFF;
	s21 =	sshll.u32 s7, $0x1;
	s4 =	sadd.s32 s5, s19  }
0x9d: {  	s8 =	simm.s32 $0x0;
	s20 =	sshll.u32 s6, $0x1;
	s6 =	sadd.s32 s21, s4  }
0x9e: {  	[timem:s8], [sflag:s22] =	dma.local [hbm:s6], s20  }
0x9f: {  	_ =	swait.ge [sflag:s22], s20  }
0xa0: {  	s5 =	ssub.s32 $0x0, s20;
	[sflag:s22] =	ssyncset.done $0x0  }
0xa1: {  	[sflag:s22] =	ssyncadd.s32 s5;
	_ =	sdelay $0x1  }
0xa2: {  	s23 =	simm.s32 $0x1B8B  }
0xa3: {  	_ =	swait.ge [sflag:s23], $0x1  }
0xa4: {  	[sflag:s23] =	ssyncset.done $0x0  }
0xa5: {  	s25 =	simm.s32 $0x1B8E;
	s24 =	sld [smem:$0x3FFE];
	[sflag:s23] =	ssyncadd.s32 $0xFFFFFFFF  }
0xa6: {  	s26 =	simm.s32 $execute0_lowered;
	[smem:$0x3FD2] =	sst s25  }
0xa7: {  	s6 =	sshll.u32 s26, $0x1;
	_ =	strace $0x80000046;
	[dreg:$0x1] =	wrdreg $0xFFFFFFFF  }
0xa8: {  	s28 =	simm.s32 $_size_execute0_lowered;
	s4 =	sadd.s32 s4, s6;
	[dreg:$0x0] =	wrdreg $0x0  }
0xa9: {  	s6 =	sshll.u32 s28, $0x1;
	[dreg:$0x2] =	wrdreg s4  }
0xaa: {  	[dreg:$0x3] =	wrdreg s6  }
0xab: {  	[dreg:$0x4] =	wrdreg $0xC0  }
0xac: {  	_ =	task [dreg:s8], $0x5FFFF  }
0xad: {  	[dreg:$0x1] =	wrdreg $0xFFFFFFFF  }
0xae: {  	[dreg:$0x0] =	wrdreg $0x60  }
0xaf: {  	[dreg:$0x2] =	wrdreg s18  }
0xb0: {  	[dreg:$0x3] =	wrdreg s2  }
0xb1: {  	[dreg:$0x4] =	wrdreg s24  }
0xb2: {  	[dreg:$0x5] =	wrdreg $0x0  }
0xb3: {  	[dreg:$0x6] =	wrdreg $0x140000  }
0xb4: {  	[dreg:$0x7] =	wrdreg $0x9  }
0xb5: {  	_ =	task.clear_ibuf [dreg:s8], $0x8FFFF;
	_ =	strace $0x90000046  }
0xb6: {  	s29 =	simm.s32 $0x9;
	_ =	strace $0x80000048  }
0xb7: {  	_ =	swait.ge [sflag:s29], $0x1  }
0xb8: {  	[sflag:s29] =	ssyncadd.s32 $0xFFFFFFFF  }
0xb9: {  	_ =	strace $0x90000048  }
0xba: {  	_ =	sfence  }
0xbb: {  	s30 =	sld [smem:$0x0];
	_ =	sdelay $0x2  }
0xbc: {  	s31 =	sshll.u32 s1, $0xD;
	s1 =	sshrl.u32 s1, $0x2  }
0xbd: {  	s3 =	sand.u32 $0x4000, s31;
	s1 =	sadd.s32 s1, s30  }
0xbe: {  	s0 =	sor.u32 s3, s0;
	s1 =	sshll.u32 s1, $0x11  }
0xbf: {  	s0 =	sor.u32 s1, s0  }
0xc0: {  	s0 =	sadd.s32 $0x8F2B, s0  }
0xc1: {  	[sflag:s0] =	ssyncadd.remote.s32 $0x1  }
0xc2: {  	_ =	sfence.sel $0xFFFF  }
0xc3: {  	[dreg:$0x0] =	wrdreg $0xFFFFFFFF;
	(pc) =	sbr.abs _section_cstart, $3  }
0xc4: {  	[dreg:$0x1] =	wrdreg $0xFFFFFFFF  }
0xc5: {  	_ =	task.clear_ibuf [dreg:s8], $0x2FFFF;
	_ =	strace $0x9FFFFFFF  }
0xc6: {  	(tm) =	ssettm $0x7FFFFFFF  }
0xc7: {  	_ =	shalt  }
tec
execute0_lowered:
.L_overlay_start_1:
0x0: {  	(tag) =	ssettag $0x1  }
0x1: {  	s0 =	rddreg [dreg:$0x0]  }
0x2: {  	s2 =	rddreg [dreg:$0x1]  }
0x3: {  	s4 =	rddreg [dreg:$0x2]  }
0x4: {  	s1 =	srdreg.scid;
	s3 =	rddreg [dreg:$0x3]  }
0x5: {  	s11 =	rddreg [dreg:$0x4];
	s5 =	simm.s32 $0x0;
	s14 =	sand.u32 $0x1, s1  }
0x6: {  	s28 =	simm.s32 $0x1C380;
	s1 =	stileid.u32;
	s6 =	smul.u32 $0x140000, s14  }
0x7: {  	s29 =	simm.s32 $0x0;
	[smem:$0x7FF] =	sst s5;
	s7 =	smul.u32 $0x14000, s1  }
0x8: {  	s16 =	smul.u32 $0x2800, s14;
	s8 =	sshll.u32 s1, $0xB;
	_ =	strace $0x80000047  }
0x9: {  	s18 =	ssub.s32 $0x2, s14;
	s9 =	smul.u32 $0x50000, s1;
	s10 =	sshll.u32 s1, $0x1  }
0xa: {  	s25 =	sshll.u32 s1, $0x8;
	s26 =	sshll.u32 s14, $0xB;
	p0 =	sgt.u32 s1, $0x4  }
0xb: {  	s19 =	sshrl.u32 s18, $0x1;
	s10 =	sor.u32 s14, s10;
	s6 =	sadd.s32 s7, s6  }
0xc: {  	s17 =	sadd.s32 s8, s16;
	s15 =	ssub.s32 s18, s19;
	s20 =	sshrl.u32 s9, $0x2  }
0xd: {  	s21 =	ssub.s32 $0x9E3, s10;
	s22 =	sshll.u32 s10, $0xB;
	s23 =	sshll.u32 s10, $0x7  }
0xe: {  	s10 =	sshll.u32 s10, $0x4;
	s18 =	sshll.u32 s1, $0xC;
	s19 =	simm.s32 $0x1EB80  }
0xf: {  	s6 =	sshrl.u32 s6, $0x3;
	s7 =	sadd.s32 s20, s3;
	s9 =	sadd.s32 s2, s22  }
0x10: {  	s10 =	sadd.s32 s0, s10;
	s15 =	smax.u32 s15, $0x1;
	s20 =	simm.s32 $0x6  }
0x11: {  	s13 =	sadd.s32 s6, s4;
	s6 =	sshrl.u32 s17, $0x3;
	s17 =	sshll.u32 s14, $0x7  }
0x12: {  	s4 =	sadd.s32 s6, s4;
	s6 =	sadd.s32 s8, s11;
	s11 =	sor.u32 $0x1000, s23  }
0x13: {  	s8 =	sshrl.u32 s21, $0x5;
	s13 =	sadd.s32 $0x1600, s13;
	s12 =	sshll.u32 s11, $0x4  }
0x14: {  	s16 =	sshrl.u32 s11, $0x3;
	s24 =	sadd.s32 $0xFFFFFFFF, s8;
	s14 =	sadd.s32 $0x51600, s4  }
0x15: {  	s11 =	sadd.s32 s2, s12;
	s12 =	sadd.s32 s0, s16;
	s16 =	sor.u32 s17, s25  }
0x16: {  	v0 =	vlaneseq.u32;
	[dreg:$0x6] =	wrdreg s24;
	s2 =	sadd.s32 s18, s2;
	s30 =	sor.u32 $0x3000, s16  }
0x17: {  	v1 =	vimm.f32 $0.0e+00;
	v2 =	vor.u32 $0x10, v0;
	s2 =	sadd.s32 s26, s2;
	s18 =	sor.u32 $0x2000, s16;
	s31 =	sshrl.u32 s30, $0x3  }
0x18: {  	v3 =	vor.u32 $0x20, v0;
	v4 =	vor.u32 $0x30, v0;
	v5 =	vor.u32 $0x40, v0;
	s26 =	simm.s32 $0x1F380;
	s4 =	sadd.s32 $0x30000, s2;
	s2 =	sadd.s32 s31, s0  }
.LBB2_1:
0x19: {  	[tilespmem:$0x1EB80] =	vst v1  }
0x1a: {  	[tilespmem:$0x1EB90] =	vst v1  }
0x1b: {  	[tilespmem:$0x1EBA0] =	vst v1  }
0x1c: {  	[tilespmem:$0x1EBB0] =	vst v1  }
0x1d: {  	[tilespmem:$0x1EBC0] =	vst v1  }
0x1e: {  	[tilespmem:$0x1EBD0] =	vst v1  }
0x1f: {  	[tilespmem:$0x1EBE0] =	vst v1  }
0x20: {  	[tilespmem:$0x1EBF0] =	vst v1  }
0x21: {  	[tilespmem:$0x1EC00] =	vst v1  }
0x22: {  	[tilespmem:$0x1EC10] =	vst v1  }
0x23: {  	[tilespmem:$0x1EC20] =	vst v1  }
0x24: {  	[tilespmem:$0x1EC30] =	vst v1  }
0x25: {  	[tilespmem:$0x1EC40] =	vst v1  }
0x26: {  	[tilespmem:$0x1EC50] =	vst v1  }
0x27: {  	[tilespmem:$0x1EC60] =	vst v1  }
0x28: {  	[tilespmem:$0x1EC70] =	vst v1  }
0x29: {  	[tilespmem:$0x1EC80] =	vst v1  }
0x2a: {  	[tilespmem:$0x1EC90] =	vst v1  }
0x2b: {  	[tilespmem:$0x1ECA0] =	vst v1  }
0x2c: {  	[tilespmem:$0x1ECB0] =	vst v1  }
0x2d: {  	[tilespmem:$0x1ECC0] =	vst v1  }
0x2e: {  	[tilespmem:$0x1ECD0] =	vst v1  }
0x2f: {  	[tilespmem:$0x1ECE0] =	vst v1  }
0x30: {  	[tilespmem:$0x1ECF0] =	vst v1  }
0x31: {  	[tilespmem:$0x1ED00] =	vst v1  }
0x32: {  	[tilespmem:$0x1ED10] =	vst v1  }
0x33: {  	[tilespmem:$0x1ED20] =	vst v1  }
0x34: {  	[tilespmem:$0x1ED30] =	vst v1  }
0x35: {  	[tilespmem:$0x1ED40] =	vst v1  }
0x36: {  	[tilespmem:$0x1ED50] =	vst v1  }
0x37: {  	[tilespmem:$0x1ED60] =	vst v1  }
0x38: {  	[tilespmem:$0x1ED70] =	vst v1  }
0x39: {  	[tilespmem:$0x1ED80] =	vst v1  }
0x3a: {  	[tilespmem:$0x1ED90] =	vst v1  }
0x3b: {  	[tilespmem:$0x1EDA0] =	vst v1  }
0x3c: {  	[tilespmem:$0x1EDB0] =	vst v1  }
0x3d: {  	[tilespmem:$0x1EDC0] =	vst v1  }
0x3e: {  	[tilespmem:$0x1EDD0] =	vst v1  }
0x3f: {  	[tilespmem:$0x1EDE0] =	vst v1  }
0x40: {  	[tilespmem:$0x1EDF0] =	vst v1  }
0x41: {  	[tilespmem:$0x1EE00] =	vst v1  }
0x42: {  	[tilespmem:$0x1EE10] =	vst v1  }
0x43: {  	[tilespmem:$0x1EE20] =	vst v1  }
0x44: {  	[tilespmem:$0x1EE30] =	vst v1  }
0x45: {  	[tilespmem:$0x1EE40] =	vst v1  }
0x46: {  	[tilespmem:$0x1EE50] =	vst v1  }
0x47: {  	[tilespmem:$0x1EE60] =	vst v1  }
0x48: {  	[tilespmem:$0x1EE70] =	vst v1  }
0x49: {  	[tilespmem:$0x1EE80] =	vst v1  }
0x4a: {  	[tilespmem:$0x1EE90] =	vst v1  }
0x4b: {  	[tilespmem:$0x1EEA0] =	vst v1  }
0x4c: {  	[tilespmem:$0x1EEB0] =	vst v1  }
0x4d: {  	[tilespmem:$0x1EEC0] =	vst v1  }
0x4e: {  	[tilespmem:$0x1EED0] =	vst v1  }
0x4f: {  	[tilespmem:$0x1EEE0] =	vst v1  }
0x50: {  	[tilespmem:$0x1EEF0] =	vst v1  }
0x51: {  	[tilespmem:$0x1EF00] =	vst v1  }
0x52: {  	[tilespmem:$0x1EF10] =	vst v1  }
0x53: {  	[tilespmem:$0x1EF20] =	vst v1  }
0x54: {  	[tilespmem:$0x1EF30] =	vst v1  }
0x55: {  	[tilespmem:$0x1EF40] =	vst v1  }
0x56: {  	[tilespmem:$0x1EF50] =	vst v1  }
0x57: {  	[tilespmem:$0x1EF60] =	vst v1  }
0x58: {  	[tilespmem:$0x1EF70] =	vst v1  }
0x59: {  	[tilespmem:$0x1EF80] =	vst v1  }
0x5a: {  	[tilespmem:$0x1EF90] =	vst v1  }
0x5b: {  	[tilespmem:$0x1EFA0] =	vst v1  }
0x5c: {  	[tilespmem:$0x1EFB0] =	vst v1  }
0x5d: {  	[tilespmem:$0x1EFC0] =	vst v1  }
0x5e: {  	[tilespmem:$0x1EFD0] =	vst v1  }
0x5f: {  	[tilespmem:$0x1EFE0] =	vst v1  }
0x60: {  	[tilespmem:$0x1EFF0] =	vst v1  }
0x61: {  	[tilespmem:$0x1F000] =	vst v1  }
0x62: {  	[tilespmem:$0x1F010] =	vst v1  }
0x63: {  	[tilespmem:$0x1F020] =	vst v1  }
0x64: {  	[tilespmem:$0x1F030] =	vst v1  }
0x65: {  	[tilespmem:$0x1F040] =	vst v1  }
0x66: {  	[tilespmem:$0x1F050] =	vst v1  }
0x67: {  	[tilespmem:$0x1F060] =	vst v1  }
0x68: {  	[tilespmem:$0x1F070] =	vst v1  }
0x69: {  	[tilespmem:$0x1F080] =	vst v1  }
0x6a: {  	[tilespmem:$0x1F090] =	vst v1  }
0x6b: {  	[tilespmem:$0x1F0A0] =	vst v1  }
0x6c: {  	[tilespmem:$0x1F0B0] =	vst v1  }
0x6d: {  	[tilespmem:$0x1F0C0] =	vst v1  }
0x6e: {  	[tilespmem:$0x1F0D0] =	vst v1  }
0x6f: {  	[tilespmem:$0x1F0E0] =	vst v1  }
0x70: {  	[tilespmem:$0x1F0F0] =	vst v1  }
0x71: {  	[tilespmem:$0x1F100] =	vst v1  }
0x72: {  	[tilespmem:$0x1F110] =	vst v1  }
0x73: {  	[tilespmem:$0x1F120] =	vst v1  }
0x74: {  	[tilespmem:$0x1F130] =	vst v1  }
0x75: {  	[tilespmem:$0x1F140] =	vst v1  }
0x76: {  	[tilespmem:$0x1F150] =	vst v1  }
0x77: {  	[tilespmem:$0x1F160] =	vst v1  }
0x78: {  	[tilespmem:$0x1F170] =	vst v1  }
0x79: {  	[tilespmem:$0x1F180] =	vst v1  }
0x7a: {  	[tilespmem:$0x1F190] =	vst v1  }
0x7b: {  	[tilespmem:$0x1F1A0] =	vst v1  }
0x7c: {  	[tilespmem:$0x1F1B0] =	vst v1  }
0x7d: {  	[tilespmem:$0x1F1C0] =	vst v1  }
0x7e: {  	[tilespmem:$0x1F1D0] =	vst v1  }
0x7f: {  	[tilespmem:$0x1F1E0] =	vst v1  }
0x80: {  	[tilespmem:$0x1F1F0] =	vst v1  }
0x81: {  	[tilespmem:$0x1F200] =	vst v1  }
0x82: {  	[tilespmem:$0x1F210] =	vst v1  }
0x83: {  	[tilespmem:$0x1F220] =	vst v1  }
0x84: {  	[tilespmem:$0x1F230] =	vst v1  }
0x85: {  	[tilespmem:$0x1F240] =	vst v1  }
0x86: {  	[tilespmem:$0x1F250] =	vst v1  }
0x87: {  	[tilespmem:$0x1F260] =	vst v1  }
0x88: {  	[tilespmem:$0x1F270] =	vst v1  }
0x89: {  	[tilespmem:$0x1F280] =	vst v1  }
0x8a: {  	[tilespmem:$0x1F290] =	vst v1  }
0x8b: {  	[tilespmem:$0x1F2A0] =	vst v1  }
0x8c: {  	[tilespmem:$0x1F2B0] =	vst v1  }
0x8d: {  	[tilespmem:$0x1F2C0] =	vst v1  }
0x8e: {  	[tilespmem:$0x1F2D0] =	vst v1  }
0x8f: {  	[tilespmem:$0x1F2E0] =	vst v1  }
0x90: {  	[tilespmem:$0x1F2F0] =	vst v1  }
0x91: {  	[tilespmem:$0x1F300] =	vst v1  }
0x92: {  	[tilespmem:$0x1F310] =	vst v1  }
0x93: {  	[tilespmem:$0x1F320] =	vst v1  }
0x94: {  	[tilespmem:$0x1F330] =	vst v1  }
0x95: {  	[tilespmem:$0x1F340] =	vst v1  }
0x96: {  	[tilespmem:$0x1F350] =	vst v1  }
0x97: {  	[tilespmem:$0x1F360] =	vst v1  }
0x98: {  	[tilespmem:$0x1F370] =	vst v1  }
0x99: {  	[tilespmem:$0x1F380] =	vst v0  }
0x9a: {  	[tilespmem:$0x1F390] =	vst v2  }
0x9b: {  	[tilespmem:$0x1F3A0] =	vst v3  }
0x9c: {  	[tilespmem:$0x1F3B0] =	vst v4  }
0x9d: {  	[tilespmem:$0x1F3C0] =	vst v5;
	s16 =	simm.s32 $0x0;
	s17 =	simm.s32 $0x200  }
.LBB2_2:
0x9e: {  	p1 =	sne.s32 s17, $0x9E00;
	[tilespmem:s16+$0x1C3F0] =	vst v1  }
0x9f: {  	[tilespmem:s16+$0x1C380] =	vst v1  }
0xa0: {  	[tilespmem:s16+$0x1C390] =	vst v1  }
.Ltmp0:
0xa1: {  	[tilespmem:s16+$0x1C3A0] =	vst v1;
	(pc) =	sbr.rel @p1 .LBB2_2-.Ltmp0, $4  }
0xa2: {  	[tilespmem:s16+$0x1C3B0] =	vst v1  }
0xa3: {  	[tilespmem:s16+$0x1C3C0] =	vst v1  }
0xa4: {  	[tilespmem:s16+$0x1C3D0] =	vst v1  }
0xa5: {  	[tilespmem:s16+$0x1C3E0] =	vst v1;
	s16 =	sshra.s32 s17, $0x2;
	s17 =	sadd.s32 $0x200, s17  }
0xa6: {  	[tilespmem:s16+$0x1C3F0] =	vst v1  }
0xa7: {  	[tilespmem:s16+$0x1C380] =	vst v1  }
0xa8: {  	[tilespmem:s16+$0x1C390] =	vst v1  }
0xa9: {  	[tilespmem:s16+$0x1C3A0] =	vst v1  }
0xaa: {  	[tilespmem:s16+$0x1C3B0] =	vst v1  }
0xab: {  	[tilespmem:s16+$0x1C3C0] =	vst v1  }
0xac: {  	[tilespmem:s16+$0x1C3D0] =	vst v1  }
0xad: {  	[tilespmem:s16+$0x1C3E0] =	vst v1;
	s16 =	simm.s32 @!p0 $0x1EB80  }
0xae: {  	[spmem:s6] =	stream.linear.scatter @!p0 [tilespmem:s16], [sflag:$0x6], $0x800, $0x38;
	[tilespmem:$0x1F400] =	vst v63  }
0xaf: {  	s16 =	simm.s32 @!p0 $0x6  }
0xb0: {  	_ =	swait.ge @!p0 [sflag:s16], $0x800  }
0xb1: {  	[sflag:s16] =	ssyncset.done @!p0 $0x0  }
0xb2: {  	s31 =	sadd.s32 $0x0, s7;
	[sflag:s16] =	ssyncadd.s32 @!p0 $0xFFFFF800  }
0xb3: {  	[spmem:s31] =	stream.linear.scatter [tilespmem:s19], [sflag:$0x6], $0x800, $0x38;
	[tilespmem:$0x1F400] =	vst v63  }
0xb4: {  	s16 =	simm.s32 $0x2000;
	_ =	swait.ge [sflag:s20], $0x800  }
.LBB2_4:
0xb5: {  	s17 =	sshra.s32 s16, $0x2;
	[sflag:s20] =	ssyncset.done $0x0;
	p1 =	sne.s32 s16, $0x4E000  }
.Ltmp1:
0xb6: {  	s17 =	sadd.s32 s17, s7;
	[sflag:s20] =	ssyncadd.s32 $0xFFFFF800;
	(pc) =	sbr.rel @p1 .LBB2_4-.Ltmp1, $3  }
0xb7: {  	[spmem:s17] =	stream.linear.scatter [tilespmem:s19], [sflag:$0x6], $0x800, $0x38;
	[tilespmem:$0x1F400] =	vst v63  }
0xb8: {  	s16 =	sadd.s32 $0x2000, s16;
	_ =	sdelay $0x1  }
0xb9: {  	_ =	swait.ge [sflag:s20], $0x800  }
0xba: {  	[sflag:s20] =	ssyncset.done $0x0  }
0xbb: {  	[sflag:s20] =	ssyncadd.s32 $0xFFFFF800  }
0xbc: {  	s16 =	simm.s32 $0x14280;
	[bflag:$0x0] =	sbarrier.arrive $0xFFFF  }
0xbd: {  	[tilespmem:s16], [sflag:$0x1] =	stream.linear.gather [hbm4b:s9+s5], $0x4000, $0x38;
	[tilespmem:$0x1F400] =	vst v63  }
0xbe: {  	s23 =	simm.s32 $0x1C280  }
0xbf: {  	[tilespmem:s23], [sflag:$0x3] =	stream.linear.gather [hbm4b:s10+s5], $0x80, $0x38;
	[tilespmem:$0x1F400] =	vst v63  }
0xc0: {  	s24 =	simm.s32 $0x18280;
	s25 =	simm.s32 $0x1C300;
	s30 =	simm.s32 $0x3  }
0xc1: {  	[tilespmem:s24], [sflag:$0x2] =	stream.linear.gather [hbm4b:s11+s5], $0x4000, $0x38;
	[tilespmem:$0x1F400] =	vst v63  }
0xc2: {  	s31 =	smov.u32 s18;
	s17 =	smov.u32 s2;
	s16 =	smov.u32 s4  }
0xc3: {  	[tilespmem:s25], [sflag:$0x4] =	stream.linear.gather [hbm4b:s12+s5], $0x80, $0x38;
	[tilespmem:$0x1F400] =	vst v63  }
.LBB2_6:
0xc4: {  	s21 =	sadd.s32 $0xFFFFFFFD, s30  }
0xc5: {  	p1 =	sge.u32 s21, s8  }
0xc6: {  	s22 =	simm.s32 @!p1 $0x1  }
0xc7: {  	_ =	swait.ge @!p1 [sflag:s22], $0x4000  }
0xc8: {  	[sflag:s22] =	ssyncset.done @!p1 $0x0  }
0xc9: {  	[sflag:s22] =	ssyncadd.s32 @!p1 $0xFFFFC000;
	s22 =	simm.s32 @!p1 $0x3  }
0xca: {  	_ =	swait.ge @!p1 [sflag:s22], $0x80  }
0xcb: {  	s23 =	simm.s32 @!p1 $0x1C280;
	[sflag:s22] =	ssyncset.done @!p1 $0x0  }
0xcc: {  	s24 =	simm.s32 @!p1 $0x14280;
	[sflag:s22] =	ssyncadd.s32 @!p1 $0xFFFFFF80;
	s22 =	simm.s32 @!p1 $0x80  }
0xcd: {  	[spmem:s3] =	stream.indirect.scatter.add.f32 @!p1 [tilespmem:s24], [sflag:$0x5], $0x80, s23, s22, $0xb8;
	[tilespmem:$0x1F400] =	vst v63  }
0xce: {  	v6 =	vld @!p1 [tilespmem:$0x1C280];
	_ =	sdelay $0x6  }
0xcf: {  	v7 =	vimm.f32 @!p1 $1.000000000e+00;
	s22 =	simm.s32 @!p1 $0x1C380  }
0xd0: {  	[tilespmem:v6+s22+$0x0] =	vst.idx.add.f32.msk @!p1 $0xffff, v7  }
0xd1: {  	v6 =	vld @!p1 [tilespmem:$0x1C290];
	_ =	sdelay $0x7  }
0xd2: {  	[tilespmem:v6+s22+$0x0] =	vst.idx.add.f32.msk @!p1 $0xffff, v7  }
0xd3: {  	v6 =	vld @!p1 [tilespmem:$0x1C2A0];
	_ =	sdelay $0x7  }
0xd4: {  	[tilespmem:v6+s22+$0x0] =	vst.idx.add.f32.msk @!p1 $0xffff, v7  }
0xd5: {  	v6 =	vld @!p1 [tilespmem:$0x1C2B0];
	_ =	sdelay $0x7  }
0xd6: {  	[tilespmem:v6+s22+$0x0] =	vst.idx.add.f32.msk @!p1 $0xffff, v7  }
0xd7: {  	v6 =	vld @!p1 [tilespmem:$0x1C2C0];
	_ =	sdelay $0x7  }
0xd8: {  	[tilespmem:v6+s22+$0x0] =	vst.idx.add.f32.msk @!p1 $0xffff, v7  }
0xd9: {  	v6 =	vld @!p1 [tilespmem:$0x1C2D0];
	_ =	sdelay $0x7  }
0xda: {  	[tilespmem:v6+s22+$0x0] =	vst.idx.add.f32.msk @!p1 $0xffff, v7  }
0xdb: {  	v6 =	vld @!p1 [tilespmem:$0x1C2E0];
	_ =	sdelay $0x7  }
0xdc: {  	[tilespmem:v6+s22+$0x0] =	vst.idx.add.f32.msk @!p1 $0xffff, v7  }
0xdd: {  	v6 =	vld @!p1 [tilespmem:$0x1C2F0];
	_ =	sdelay $0x7  }
0xde: {  	[tilespmem:v6+s22+$0x0] =	vst.idx.add.f32.msk @!p1 $0xffff, v7;
	s22 =	simm.s32 @!p1 $0x5  }
0xdf: {  	s23 =	sadd.s32 @!p1 $0xFFFFFFFF, s30;
	_ =	swait.ge @!p1 [sflag:s22], $0x4000  }
0xe0: {  	p2 =	sge.u32 @!p1 s23, s8;
	[sflag:s22] =	ssyncset.done @!p1 $0x0  }
0xe1: {  	[sflag:s22] =	ssyncadd.s32 @!p1 $0xFFFFC000;
	p1 =	por p2, p1  }
0xe2: {  	s22 =	sadd.s32 @!p1 $0xFFFF0000, s16;
	s23 =	simm.s32 @!p1 $0x0;
	s24 =	simm.s32 @!p1 $0x14280  }
0xe3: {  	[tilespmem:s24], [sflag:$0x1] =	stream.linear.gather @!p1 [hbm4b:s22+s23], $0x4000, $0x38;
	[tilespmem:$0x1F400] =	vst v63  }
0xe4: {  	s22 =	sshrl.u32 @!p1 s31, $0x3  }
0xe5: {  	s25 =	simm.s32 @!p1 $0x1C280;
	s24 =	rddreg [dreg:$0x6];
	s22 =	sadd.s32 @!p1 s0, s22  }
0xe6: {  	[tilespmem:s25], [sflag:$0x3] =	stream.linear.gather @!p1 [hbm4b:s22+s23], $0x80, $0x38;
	[tilespmem:$0x1F400] =	vst v63  }
0xe7: {  	p1 =	sge.u32 s21, s24  }
0xe8: {  	s21 =	simm.s32 @!p1 $0x2  }
0xe9: {  	_ =	swait.ge @!p1 [sflag:s21], $0x4000  }
0xea: {  	[sflag:s21] =	ssyncset.done @!p1 $0x0  }
0xeb: {  	[sflag:s21] =	ssyncadd.s32 @!p1 $0xFFFFC000;
	s21 =	simm.s32 @!p1 $0x4  }
0xec: {  	_ =	swait.ge @!p1 [sflag:s21], $0x80  }
0xed: {  	s22 =	simm.s32 @!p1 $0x1C300;
	[sflag:s21] =	ssyncset.done @!p1 $0x0  }
0xee: {  	s23 =	simm.s32 @!p1 $0x18280;
	[sflag:s21] =	ssyncadd.s32 @!p1 $0xFFFFFF80;
	s21 =	simm.s32 @!p1 $0x80  }
0xef: {  	[spmem:s3] =	stream.indirect.scatter.add.f32 @!p1 [tilespmem:s23], [sflag:$0x5], $0x80, s22, s21, $0xb8;
	[tilespmem:$0x1F400] =	vst v63  }
0xf0: {  	v6 =	vld @!p1 [tilespmem:$0x1C300];
	_ =	sdelay $0x6  }
0xf1: {  	v7 =	vimm.f32 @!p1 $1.000000000e+00;
	s21 =	simm.s32 @!p1 $0x1C380  }
0xf2: {  	[tilespmem:v6+s21+$0x0] =	vst.idx.add.f32.msk @!p1 $0xffff, v7  }
0xf3: {  	v6 =	vld @!p1 [tilespmem:$0x1C310];
	_ =	sdelay $0x7  }
0xf4: {  	[tilespmem:v6+s21+$0x0] =	vst.idx.add.f32.msk @!p1 $0xffff, v7  }
0xf5: {  	v6 =	vld @!p1 [tilespmem:$0x1C320];
	_ =	sdelay $0x7  }
0xf6: {  	[tilespmem:v6+s21+$0x0] =	vst.idx.add.f32.msk @!p1 $0xffff, v7  }
0xf7: {  	v6 =	vld @!p1 [tilespmem:$0x1C330];
	_ =	sdelay $0x7  }
0xf8: {  	[tilespmem:v6+s21+$0x0] =	vst.idx.add.f32.msk @!p1 $0xffff, v7  }
0xf9: {  	v6 =	vld @!p1 [tilespmem:$0x1C340];
	_ =	sdelay $0x7  }
0xfa: {  	[tilespmem:v6+s21+$0x0] =	vst.idx.add.f32.msk @!p1 $0xffff, v7  }
0xfb: {  	v6 =	vld @!p1 [tilespmem:$0x1C350];
	_ =	sdelay $0x7  }
0xfc: {  	[tilespmem:v6+s21+$0x0] =	vst.idx.add.f32.msk @!p1 $0xffff, v7  }
0xfd: {  	v6 =	vld @!p1 [tilespmem:$0x1C360];
	_ =	sdelay $0x7  }
0xfe: {  	[tilespmem:v6+s21+$0x0] =	vst.idx.add.f32.msk @!p1 $0xffff, v7  }
0xff: {  	v6 =	vld @!p1 [tilespmem:$0x1C370];
	_ =	sdelay $0x7  }
0x100: {  	[tilespmem:v6+s21+$0x0] =	vst.idx.add.f32.msk @!p1 $0xffff, v7;
	s21 =	simm.s32 @!p1 $0x5  }
0x101: {  	_ =	swait.ge @!p1 [sflag:s21], $0x4000  }
0x102: {  	p2 =	sge.u32 @!p1 s30, s8;
	s30 =	sadd.s32 $0x2, s30;
	[sflag:s21] =	ssyncset.done @!p1 $0x0  }
0x103: {  	p2 =	por p2, p1;
	[sflag:s21] =	ssyncadd.s32 @!p1 $0xFFFFC000;
	p1 =	sne.s32 s30, $0x53  }
.Ltmp2:
0x104: {  	s22 =	simm.s32 @!p2 $0x18280;
	s21 =	simm.s32 @!p2 $0x0;
	(pc) =	sbr.rel @p1 .LBB2_6-.Ltmp2, $4  }
0x105: {  	[tilespmem:s22], [sflag:$0x2] =	stream.linear.gather @!p2 [hbm4b:s16+s21], $0x4000, $0x38;
	[tilespmem:$0x1F400] =	vst v63  }
0x106: {  	s22 =	simm.s32 @!p2 $0x1C300  }
0x107: {  	[tilespmem:s22], [sflag:$0x4] =	stream.linear.gather @!p2 [hbm4b:s17+s21], $0x80, $0x38;
	[tilespmem:$0x1F400] =	vst v63  }
0x108: {  	s31 =	sadd.s32 $0x2000, s31;
	s16 =	sadd.s32 $0x20000, s16;
	s17 =	sadd.s32 $0x400, s17  }
0x109: {  	s16 =	rddreg [dreg:$0x4];
	s17 =	simm.s32 $0x50  }
0x10a: {  	[spmem:s16] =	stream.indirect.scatter.add.f32 [tilespmem:s28], [sflag:$0x6], $0x80, s26, s17, $0xb8;
	[tilespmem:$0x1F400] =	vst v63  }
0x10b: {  	_ =	swait.ge [sflag:s20], $0x2800  }
0x10c: {  	[sflag:s20] =	ssyncset.done $0x0  }
0x10d: {  	s30 =	sshll.u32 s1, $0x6;
	[sflag:s20] =	ssyncadd.s32 $0xFFFFD800  }
0x10e: {  	s31 =	sshrl.u32 s7, $0x3;
	s16 =	sor.u32 $0x1C06, s30;
	[bflag:$0x0] =	sbarrier.arrive $0xFFFF  }
0x10f: {  	[hbm:s13], [sflag:s16] =	dma.local [spmem:s31], $0x2800  }
0x110: {  	_ =	swait.ge [sflag:s20], $0x2800  }
0x111: {  	s29 =	sadd.s32 $0x1, s29;
	[sflag:s20] =	ssyncset.done $0x0  }
0x112: {  	s17 =	sshrl.u32 @!p0 s6, $0x3;
	p1 =	sne.s32 s29, s15;
	[sflag:s20] =	ssyncadd.s32 $0xFFFFD800  }
0x113: {  	[hbm:s14], [sflag:s16] =	dma.local @!p0 [spmem:s17], $0x100  }
.Ltmp3:
0x114: {  	_ = 	snop;
	(pc) =	sbr.rel @p1 .LBB2_1-.Ltmp3, $4  }
0x115: {  	s16 =	simm.s32 @!p0 $0x6  }
0x116: {  	_ =	swait.ge @!p0 [sflag:s16], $0x100  }
0x117: {  	[sflag:s16] =	ssyncset.done @!p0 $0x0  }
0x118: {  	[sflag:s16] =	ssyncadd.s32 @!p0 $0xFFFFFF00  }
0x119: {  	_ =	sfence.sel $0x180000  }
0x11a: {  	[bflag:$0x0] =	sbarrier.arrive $0xFFFF  }
0x11b: {  	_ =	strace $0x90000047  }
0x11c: {  	[bflag:$0x2] =	sbarrier.arrive $0xFFFF  }
0x11d: {  	p0 =	sne.s32 s1, $0x0;
	s0 =	rddreg [dreg:$0x5]  }
0x11e: {  	s0 =	sadd.s32 @!p0 $0x100000, s0  }
0x11f: {  	[sflag:s0] =	ssyncadd.tile.s32 @!p0 $0x1;
	_ =	shalt  }
.Lfunc_end2:
_tile_overlayer_lowered:
.L_overlay_start_2:
0x120: {  	(tag) =	ssettag $0x2  }
0x121: {  	s0 =	rddreg [dreg:$0x0];
	s2 =	stileid.u32  }
0x122: {  	s1 =	rddreg [dreg:$0x1];
	p0 =	sne.s32 s2, $0x0  }
0x123: {  	s3 =	rddreg [dreg:$0x2];
	[bflag:$0x3] =	sbarrier.arrive $0xFFFF;
	s2 =	simm.s32 @!p0 $0x1C06  }
0x124: {  	[timem:s3], [sflag:s2] =	dma.local @!p0 [hbm:s0], s1  }
0x125: {  	s0 =	simm.s32 @!p0 $0x6  }
0x126: {  	_ =	swait.ge @!p0 [sflag:s0], s1  }
0x127: {  	s1 =	ssub.s32 @!p0 $0x0, s1;
	[sflag:s0] =	ssyncset.done @!p0 $0x0  }
0x128: {  	[sflag:s0] =	ssyncadd.s32 @!p0 s1  }
0x129: {  	[bflag:$0x3] =	sbarrier.arrive $0xFFFF  }
0x12a: {  	_ =	shalt  }

</sc_bundles>
